<compile_context>
chip_gen: v7x
topology: tpu7x:2x2x1
jax: 0.10.2.dev20260603
libtpu: 0.0.44.dev20260713+nightly
codegen_flags: <defaults>
</compile_context>

<pallas_src>
import functools

import jax
import jax.numpy as jnp
from jax import lax
from jax.experimental import pallas as pl
from jax.experimental.pallas import tpu as pltpu
from jax.experimental.pallas import tpu_sc as plsc

SEQ = 200
BATCH = 4096
VOCAB = 100000
NC, NS, L = 2, 16, 16
NW = NC * NS
COLS = BATCH // NW
CGRP = COLS // L
PAD_VOCAB = 100352
CHUNK = PAD_VOCAB // NS
RCHUNK = 40
NCHUNK = SEQ // RCHUNK


def _sc_kernel():
  mesh = plsc.VectorSubcoreMesh(core_axis_name="c", subcore_axis_name="s")

  @functools.partial(
      pl.kernel,
      out_type=jax.ShapeDtypeStruct((BATCH,), jnp.float32),
      mesh=mesh,
      compiler_params=pltpu.CompilerParams(needs_layout_passes=False),
      scratch_types=[
          pltpu.VMEM((PAD_VOCAB,), jnp.float32),
          pltpu.VMEM_SHARED((PAD_VOCAB,), jnp.float32),
          pltpu.VMEM((RCHUNK, COLS), jnp.int32),
          pltpu.VMEM((RCHUNK, COLS), jnp.int32),
          pltpu.VMEM((RCHUNK, COLS), jnp.int32),
          pltpu.VMEM((RCHUNK, COLS), jnp.int32),
          pltpu.VMEM((COLS,), jnp.float32),
          pltpu.VMEM((L,), jnp.float32),
          pltpu.SemaphoreType.DMA,
          pltpu.SemaphoreType.DMA,
          pltpu.SemaphoreType.DMA,
          pltpu.SemaphoreType.DMA,
          pltpu.SemaphoreType.DMA,
      ],
  )
  def k(text_hbm, w_hbm, b_hbm, out_hbm, table_v, table_sh, idx0, idx1, idx2,
        idx3, out_v, b_v, sem_w, sem_i0, sem_i1, sem_i2, sem_i3):
    sid = lax.axis_index("s")
    wid = sid * NC + lax.axis_index("c")
    base = wid * COLS
    bufs = [idx0, idx1, idx2, idx3]
    sems = [sem_i0, sem_i1, sem_i2, sem_i3]
    NB = len(bufs)

    cps = {}
    for c in range(NB):
      cps[c] = pltpu.async_copy(
          text_hbm.at[pl.ds(c * RCHUNK, RCHUNK), pl.ds(base, COLS)],
          bufs[c], sems[c])
    pltpu.sync_copy(b_hbm, b_v)

    off = pl.multiple_of(sid * CHUNK, 8)
    pltpu.async_copy(w_hbm.at[pl.ds(off, CHUNK)],
                     table_sh.at[pl.ds(off, CHUNK)], sem_w).wait()
    plsc.subcore_barrier()
    pltpu.sync_copy(table_sh, table_v)

    bias = b_v[...]
    zero = jnp.zeros((L,), jnp.float32)
    accs = (zero,) * CGRP
    for c in range(NCHUNK):
      buf = bufs[c % NB]
      cps[c].wait()

      def row(i, a, buf=buf):
        return tuple(
            a[g] + plsc.load_gather(table_v, [buf[i, pl.ds(g * L, L)]])
            for g in range(CGRP)
        )

      accs = lax.fori_loop(0, RCHUNK, row, accs)
      if c + NB < NCHUNK:
        cps[c + NB] = pltpu.async_copy(
            text_hbm.at[pl.ds((c + NB) * RCHUNK, RCHUNK), pl.ds(base, COLS)],
            bufs[c % NB], sems[c % NB])

    for g in range(CGRP):
      out_v[pl.ds(g * L, L)] = accs[g] + bias
    pltpu.sync_copy(out_v, out_hbm.at[pl.ds(base, COLS)])

  return k


def kernel(text, w, b):
  w_flat = jnp.pad(w, ((0, PAD_VOCAB - VOCAB), (0, 0))).reshape(PAD_VOCAB)
  b16 = jnp.broadcast_to(b, (L,)).astype(jnp.float32)
  return _sc_kernel()(text, w_flat, b16)

# --- scband reference (transcript-rebuilt; emitter-appended) ---
"""Pipeline reference for scband-lr-12652973654322 (READ-ONLY COPY).

The authoritative reference and input builder live on the scoring server;
editing this copy changes nothing except your own understanding.
"""

import jax, jax.numpy as jnp
import numpy as np

VOCAB = 100000
SEQ = 200
BATCH = 4096

def setup_inputs(seed: int = 0) -> dict:
    key = jax.random.key(seed)
    k_text, k_w = jax.random.split(key, 2)
    text = jax.random.randint(k_text, (SEQ, BATCH), 0, VOCAB, dtype=jnp.int64) if jax.config.jax_enable_x64 else jax.random.randint(k_text, (SEQ, BATCH), 0, VOCAB, dtype=jnp.int32)
    # nn.Embedding default init: N(0, 1)
    w = jax.random.normal(k_w, (VOCAB, 1), dtype=jnp.float32)
    b = jnp.zeros((1,), dtype=jnp.float32)
    return {"text": text, "w": w, "b": b}

def reference(text, w, b):
    # self.w(batch.text): embedding lookup -> [SEQ, BATCH, 1]
    emb = jnp.take(w, text, axis=0)
    # torch.sum(..., dim=0).squeeze() -> [BATCH]
    dp = jnp.sum(emb, axis=0).squeeze(-1)
    # dp + self.b (broadcast of [1]) -> [BATCH]
    return dp + b

if __name__ == "__main__":
    import jax
    _d = setup_inputs()
    print(jax.jit(kernel)(*tuple(_d.values())))

</pallas_src>

<mosaic_0001>
#map = affine_map<(d0, d1) -> (0, 0)>
#map1 = affine_map<(d0, d1) -> (0)>
module attributes {stable_mosaic.version = 14 : i64} {
  func.func @k(%arg0: i32, %arg1: i32, %arg2: memref<200x4096xi32, #tpu.memory_space<hbm>>, %arg3: memref<100352xf32, #tpu.memory_space<hbm>>, %arg4: memref<16xf32, #tpu.memory_space<hbm>>, %arg5: memref<4096xf32, #tpu.memory_space<hbm>>, %arg6: memref<100352xf32, #tpu.memory_space<vmem>>, %arg7: memref<100352xf32, #tpu.memory_space<vmem_shared>>, %arg8: memref<40x128xi32, #tpu.memory_space<vmem>>, %arg9: memref<40x128xi32, #tpu.memory_space<vmem>>, %arg10: memref<40x128xi32, #tpu.memory_space<vmem>>, %arg11: memref<40x128xi32, #tpu.memory_space<vmem>>, %arg12: memref<128xf32, #tpu.memory_space<vmem>>, %arg13: memref<16xf32, #tpu.memory_space<vmem>>, %arg14: memref<!tpu.dma_semaphore, #tpu.memory_space<semaphore_mem>>, %arg15: memref<!tpu.dma_semaphore, #tpu.memory_space<semaphore_mem>>, %arg16: memref<!tpu.dma_semaphore, #tpu.memory_space<semaphore_mem>>, %arg17: memref<!tpu.dma_semaphore, #tpu.memory_space<semaphore_mem>>, %arg18: memref<!tpu.dma_semaphore, #tpu.memory_space<semaphore_mem>>) attributes {dimension_semantics = [#tpu.dimension_semantics<core_parallel>, #tpu.dimension_semantics<subcore_parallel>], iteration_bounds = array<i64: 2, 16>, scalar_prefetch = 0 : i64, scratch_operands = 13 : i64, tpu.core_type = #tpu.core_type<sc_vector_subcore>, window_params = [{transform_indices = #map}, {transform_indices = #map1}, {transform_indices = #map1}, {transform_indices = #map1}]} {
    %mul3A = arith.constant 2 : i32
    %mul3A_0 = arith.muli %arg1, %mul3A : i32
    %add3A = arith.addi %mul3A_0, %arg0 : i32
    %mul3A_1 = arith.constant 128 : i32
    %mul3A_2 = arith.muli %add3A, %mul3A_1 : i32
    %dma_start3A = arith.constant 0 : i32
    %dma_start3A_3 = tpu.memref_slice %arg2[%dma_start3A, %mul3A_2] : memref<200x4096xi32, #tpu.memory_space<hbm>> -> memref<40x128xi32, #tpu.memory_space<hbm>>
    %dma_start3A_4 = arith.constant 0 : i32
    %dma_start3A_5 = tpu.memref_slice %arg2[%dma_start3A_4, %mul3A_2] : memref<200x4096xi32, #tpu.memory_space<hbm>> -> memref<40x128xi32, #tpu.memory_space<hbm>>
    tpu.enqueue_dma source(%dma_start3A_5 : memref<40x128xi32, #tpu.memory_space<hbm>>) target(%arg8 : memref<40x128xi32, #tpu.memory_space<vmem>>) target_semaphore(%arg15 : memref<!tpu.dma_semaphore, #tpu.memory_space<semaphore_mem>>)
    %dma_start3A_6 = arith.constant 40 : i32
    %dma_start3A_7 = tpu.memref_slice %arg2[%dma_start3A_6, %mul3A_2] : memref<200x4096xi32, #tpu.memory_space<hbm>> -> memref<40x128xi32, #tpu.memory_space<hbm>>
    %dma_start3A_8 = arith.constant 40 : i32
    %dma_start3A_9 = tpu.memref_slice %arg2[%dma_start3A_8, %mul3A_2] : memref<200x4096xi32, #tpu.memory_space<hbm>> -> memref<40x128xi32, #tpu.memory_space<hbm>>
    tpu.enqueue_dma source(%dma_start3A_9 : memref<40x128xi32, #tpu.memory_space<hbm>>) target(%arg9 : memref<40x128xi32, #tpu.memory_space<vmem>>) target_semaphore(%arg16 : memref<!tpu.dma_semaphore, #tpu.memory_space<semaphore_mem>>)
    %dma_start3A_10 = arith.constant 80 : i32
    %dma_start3A_11 = tpu.memref_slice %arg2[%dma_start3A_10, %mul3A_2] : memref<200x4096xi32, #tpu.memory_space<hbm>> -> memref<40x128xi32, #tpu.memory_space<hbm>>
    %dma_start3A_12 = arith.constant 80 : i32
    %dma_start3A_13 = tpu.memref_slice %arg2[%dma_start3A_12, %mul3A_2] : memref<200x4096xi32, #tpu.memory_space<hbm>> -> memref<40x128xi32, #tpu.memory_space<hbm>>
    tpu.enqueue_dma source(%dma_start3A_13 : memref<40x128xi32, #tpu.memory_space<hbm>>) target(%arg10 : memref<40x128xi32, #tpu.memory_space<vmem>>) target_semaphore(%arg17 : memref<!tpu.dma_semaphore, #tpu.memory_space<semaphore_mem>>)
    %dma_start3A_14 = arith.constant 120 : i32
    %dma_start3A_15 = tpu.memref_slice %arg2[%dma_start3A_14, %mul3A_2] : memref<200x4096xi32, #tpu.memory_space<hbm>> -> memref<40x128xi32, #tpu.memory_space<hbm>>
    %dma_start3A_16 = arith.constant 120 : i32
    %dma_start3A_17 = tpu.memref_slice %arg2[%dma_start3A_16, %mul3A_2] : memref<200x4096xi32, #tpu.memory_space<hbm>> -> memref<40x128xi32, #tpu.memory_space<hbm>>
    tpu.enqueue_dma source(%dma_start3A_17 : memref<40x128xi32, #tpu.memory_space<hbm>>) target(%arg11 : memref<40x128xi32, #tpu.memory_space<vmem>>) target_semaphore(%arg18 : memref<!tpu.dma_semaphore, #tpu.memory_space<semaphore_mem>>)
    "tpu.region"() ({
      %run_scoped3A = tpu.sem_alloc : memref<!tpu.dma_semaphore, #tpu.memory_space<semaphore_mem>>
      tpu.enqueue_dma source(%arg4 : memref<16xf32, #tpu.memory_space<hbm>>) target(%arg13 : memref<16xf32, #tpu.memory_space<vmem>>) target_semaphore(%run_scoped3A : memref<!tpu.dma_semaphore, #tpu.memory_space<semaphore_mem>>)
      tpu.wait_dma2 semaphore(%run_scoped3A : memref<!tpu.dma_semaphore, #tpu.memory_space<semaphore_mem>>) src(%arg4 : memref<16xf32, #tpu.memory_space<hbm>>) dst(%arg13 : memref<16xf32, #tpu.memory_space<vmem>>)
      tpu.yield
    }) : () -> ()
    %mul3A_18 = arith.constant 6272 : i32
    %mul3A_19 = arith.muli %arg1, %mul3A_18 : i32
    %multiple_of3A = tpu.assume_multiple %mul3A_19, 8 : i32
    %dma_start3A_20 = tpu.memref_slice %arg7[%multiple_of3A] : memref<100352xf32, #tpu.memory_space<vmem_shared>> -> memref<6272xf32, #tpu.memory_space<vmem_shared>>
    %dma_start3A_21 = tpu.memref_slice %arg3[%multiple_of3A] : memref<100352xf32, #tpu.memory_space<hbm>> -> memref<6272xf32, #tpu.memory_space<hbm>>
    tpu.enqueue_dma source(%dma_start3A_21 : memref<6272xf32, #tpu.memory_space<hbm>>) target(%dma_start3A_20 : memref<6272xf32, #tpu.memory_space<vmem_shared>>) target_semaphore(%arg14 : memref<!tpu.dma_semaphore, #tpu.memory_space<semaphore_mem>>)
    %dma_wait3A = tpu.memref_slice %arg7[%multiple_of3A] : memref<100352xf32, #tpu.memory_space<vmem_shared>> -> memref<6272xf32, #tpu.memory_space<vmem_shared>>
    %dma_wait3A_22 = tpu.memref_slice %arg3[%multiple_of3A] : memref<100352xf32, #tpu.memory_space<hbm>> -> memref<6272xf32, #tpu.memory_space<hbm>>
    tpu.wait_dma2 semaphore(%arg14 : memref<!tpu.dma_semaphore, #tpu.memory_space<semaphore_mem>>) src(%dma_wait3A_22 : memref<6272xf32, #tpu.memory_space<hbm>>) dst(%dma_wait3A : memref<6272xf32, #tpu.memory_space<vmem_shared>>)
    %barrier3A = arith.constant 0 : index
    tpu.barrier barrier_id(%barrier3A)
    "tpu.region"() ({
      %run_scoped3A = tpu.sem_alloc : memref<!tpu.dma_semaphore, #tpu.memory_space<semaphore_mem>>
      tpu.enqueue_dma source(%arg7 : memref<100352xf32, #tpu.memory_space<vmem_shared>>) target(%arg6 : memref<100352xf32, #tpu.memory_space<vmem>>) target_semaphore(%run_scoped3A : memref<!tpu.dma_semaphore, #tpu.memory_space<semaphore_mem>>)
      tpu.wait_dma2 semaphore(%run_scoped3A : memref<!tpu.dma_semaphore, #tpu.memory_space<semaphore_mem>>) src(%arg7 : memref<100352xf32, #tpu.memory_space<vmem_shared>>) dst(%arg6 : memref<100352xf32, #tpu.memory_space<vmem>>)
      tpu.yield
    }) : () -> ()
    %get3A = arith.constant 0 : index
    %get3A_23 = tpu.vector_load %arg13[%get3A] {strides = array<i32>} : memref<16xf32, #tpu.memory_space<vmem>>, vector<16xf32>,
    %broadcast_in_dim3A = arith.constant 0.000000e+00 : f32
    %broadcast_in_dim3A_24 = vector.broadcast %broadcast_in_dim3A : f32 to vector<16xf32>
    %dma_wait3A_25 = arith.constant 0 : i32
    %dma_wait3A_26 = tpu.memref_slice %arg2[%dma_wait3A_25, %mul3A_2] : memref<200x4096xi32, #tpu.memory_space<hbm>> -> memref<40x128xi32, #tpu.memory_space<hbm>>
    %dma_wait3A_27 = arith.constant 0 : i32
    %dma_wait3A_28 = tpu.memref_slice %arg2[%dma_wait3A_27, %mul3A_2] : memref<200x4096xi32, #tpu.memory_space<hbm>> -> memref<40x128xi32, #tpu.memory_space<hbm>>
    tpu.wait_dma2 semaphore(%arg15 : memref<!tpu.dma_semaphore, #tpu.memory_space<semaphore_mem>>) src(%dma_wait3A_28 : memref<40x128xi32, #tpu.memory_space<hbm>>) dst(%arg8 : memref<40x128xi32, #tpu.memory_space<vmem>>)
    %scan3A = arith.constant 0 : i32
    %scan3A_29 = arith.constant 40 : i32
    %scan3A_30 = arith.addi %scan3A, %scan3A_29 : i32
    %scan3A_31 = arith.constant 1 : i32
    %scan3A_32:8 = scf.for %scan3A_101 = %scan3A to %scan3A_30 step %scan3A_31 iter_args(%scan3A_102 = %broadcast_in_dim3A_24, %scan3A_103 = %broadcast_in_dim3A_24, %scan3A_104 = %broadcast_in_dim3A_24, %scan3A_105 = %broadcast_in_dim3A_24, %scan3A_106 = %broadcast_in_dim3A_24, %scan3A_107 = %broadcast_in_dim3A_24, %scan3A_108 = %broadcast_in_dim3A_24, %scan3A_109 = %broadcast_in_dim3A_24) -> (vector<16xf32>, vector<16xf32>, vector<16xf32>, vector<16xf32>, vector<16xf32>, vector<16xf32>, vector<16xf32>, vector<16xf32>)  : i32 {
      %get3A_110 = arith.index_cast %scan3A_101 : i32 to index
      %get3A_111 = arith.constant 0 : index
      %get3A_112 = tpu.vector_load %arg8[%get3A_110, %get3A_111] {strides = array<i32>} : memref<40x128xi32, #tpu.memory_space<vmem>>, vector<16xi32>,
      %gather3A = tpu.vector_load_idx %arg6[%get3A_112] : memref<100352xf32, #tpu.memory_space<vmem>>[vector<16xi32>], vector<16xf32>,
      %add3A_113 = arith.addf %scan3A_102, %gather3A : vector<16xf32>
      %get3A_114 = arith.index_cast %scan3A_101 : i32 to index
      %get3A_115 = arith.constant 16 : index
      %get3A_116 = tpu.vector_load %arg8[%get3A_114, %get3A_115] {strides = array<i32>} : memref<40x128xi32, #tpu.memory_space<vmem>>, vector<16xi32>,
      %gather3A_117 = tpu.vector_load_idx %arg6[%get3A_116] : memref<100352xf32, #tpu.memory_space<vmem>>[vector<16xi32>], vector<16xf32>,
      %add3A_118 = arith.addf %scan3A_103, %gather3A_117 : vector<16xf32>
      %get3A_119 = arith.index_cast %scan3A_101 : i32 to index
      %get3A_120 = arith.constant 32 : index
      %get3A_121 = tpu.vector_load %arg8[%get3A_119, %get3A_120] {strides = array<i32>} : memref<40x128xi32, #tpu.memory_space<vmem>>, vector<16xi32>,
      %gather3A_122 = tpu.vector_load_idx %arg6[%get3A_121] : memref<100352xf32, #tpu.memory_space<vmem>>[vector<16xi32>], vector<16xf32>,
      %add3A_123 = arith.addf %scan3A_104, %gather3A_122 : vector<16xf32>
      %get3A_124 = arith.index_cast %scan3A_101 : i32 to index
      %get3A_125 = arith.constant 48 : index
      %get3A_126 = tpu.vector_load %arg8[%get3A_124, %get3A_125] {strides = array<i32>} : memref<40x128xi32, #tpu.memory_space<vmem>>, vector<16xi32>,
      %gather3A_127 = tpu.vector_load_idx %arg6[%get3A_126] : memref<100352xf32, #tpu.memory_space<vmem>>[vector<16xi32>], vector<16xf32>,
      %add3A_128 = arith.addf %scan3A_105, %gather3A_127 : vector<16xf32>
      %get3A_129 = arith.index_cast %scan3A_101 : i32 to index
      %get3A_130 = arith.constant 64 : index
      %get3A_131 = tpu.vector_load %arg8[%get3A_129, %get3A_130] {strides = array<i32>} : memref<40x128xi32, #tpu.memory_space<vmem>>, vector<16xi32>,
      %gather3A_132 = tpu.vector_load_idx %arg6[%get3A_131] : memref<100352xf32, #tpu.memory_space<vmem>>[vector<16xi32>], vector<16xf32>,
      %add3A_133 = arith.addf %scan3A_106, %gather3A_132 : vector<16xf32>
      %get3A_134 = arith.index_cast %scan3A_101 : i32 to index
      %get3A_135 = arith.constant 80 : index
      %get3A_136 = tpu.vector_load %arg8[%get3A_134, %get3A_135] {strides = array<i32>} : memref<40x128xi32, #tpu.memory_space<vmem>>, vector<16xi32>,
      %gather3A_137 = tpu.vector_load_idx %arg6[%get3A_136] : memref<100352xf32, #tpu.memory_space<vmem>>[vector<16xi32>], vector<16xf32>,
      %add3A_138 = arith.addf %scan3A_107, %gather3A_137 : vector<16xf32>
      %get3A_139 = arith.index_cast %scan3A_101 : i32 to index
      %get3A_140 = arith.constant 96 : index
      %get3A_141 = tpu.vector_load %arg8[%get3A_139, %get3A_140] {strides = array<i32>} : memref<40x128xi32, #tpu.memory_space<vmem>>, vector<16xi32>,
      %gather3A_142 = tpu.vector_load_idx %arg6[%get3A_141] : memref<100352xf32, #tpu.memory_space<vmem>>[vector<16xi32>], vector<16xf32>,
      %add3A_143 = arith.addf %scan3A_108, %gather3A_142 : vector<16xf32>
      %get3A_144 = arith.index_cast %scan3A_101 : i32 to index
      %get3A_145 = arith.constant 112 : index
      %get3A_146 = tpu.vector_load %arg8[%get3A_144, %get3A_145] {strides = array<i32>} : memref<40x128xi32, #tpu.memory_space<vmem>>, vector<16xi32>,
      %gather3A_147 = tpu.vector_load_idx %arg6[%get3A_146] : memref<100352xf32, #tpu.memory_space<vmem>>[vector<16xi32>], vector<16xf32>,
      %add3A_148 = arith.addf %scan3A_109, %gather3A_147 : vector<16xf32>
      scf.yield %add3A_113, %add3A_118, %add3A_123, %add3A_128, %add3A_133, %add3A_138, %add3A_143, %add3A_148 : vector<16xf32>, vector<16xf32>, vector<16xf32>, vector<16xf32>, vector<16xf32>, vector<16xf32>, vector<16xf32>, vector<16xf32>
    }
    %scan3A_33 = arith.constant 40 : i32
    %dma_start3A_34 = arith.constant 160 : i32
    %dma_start3A_35 = tpu.memref_slice %arg2[%dma_start3A_34, %mul3A_2] : memref<200x4096xi32, #tpu.memory_space<hbm>> -> memref<40x128xi32, #tpu.memory_space<hbm>>
    %dma_start3A_36 = arith.constant 160 : i32
    %dma_start3A_37 = tpu.memref_slice %arg2[%dma_start3A_36, %mul3A_2] : memref<200x4096xi32, #tpu.memory_space<hbm>> -> memref<40x128xi32, #tpu.memory_space<hbm>>
    tpu.enqueue_dma source(%dma_start3A_37 : memref<40x128xi32, #tpu.memory_space<hbm>>) target(%arg8 : memref<40x128xi32, #tpu.memory_space<vmem>>) target_semaphore(%arg15 : memref<!tpu.dma_semaphore, #tpu.memory_space<semaphore_mem>>)
    %dma_wait3A_38 = arith.constant 40 : i32
    %dma_wait3A_39 = tpu.memref_slice %arg2[%dma_wait3A_38, %mul3A_2] : memref<200x4096xi32, #tpu.memory_space<hbm>> -> memref<40x128xi32, #tpu.memory_space<hbm>>
    %dma_wait3A_40 = arith.constant 40 : i32
    %dma_wait3A_41 = tpu.memref_slice %arg2[%dma_wait3A_40, %mul3A_2] : memref<200x4096xi32, #tpu.memory_space<hbm>> -> memref<40x128xi32, #tpu.memory_space<hbm>>
    tpu.wait_dma2 semaphore(%arg16 : memref<!tpu.dma_semaphore, #tpu.memory_space<semaphore_mem>>) src(%dma_wait3A_41 : memref<40x128xi32, #tpu.memory_space<hbm>>) dst(%arg9 : memref<40x128xi32, #tpu.memory_space<vmem>>)
    %scan3A_42 = arith.constant 0 : i32
    %scan3A_43 = arith.constant 40 : i32
    %scan3A_44 = arith.addi %scan3A_42, %scan3A_43 : i32
    %scan3A_45 = arith.constant 1 : i32
    %scan3A_46:8 = scf.for %scan3A_101 = %scan3A_42 to %scan3A_44 step %scan3A_45 iter_args(%scan3A_102 = %scan3A_32#0, %scan3A_103 = %scan3A_32#1, %scan3A_104 = %scan3A_32#2, %scan3A_105 = %scan3A_32#3, %scan3A_106 = %scan3A_32#4, %scan3A_107 = %scan3A_32#5, %scan3A_108 = %scan3A_32#6, %scan3A_109 = %scan3A_32#7) -> (vector<16xf32>, vector<16xf32>, vector<16xf32>, vector<16xf32>, vector<16xf32>, vector<16xf32>, vector<16xf32>, vector<16xf32>)  : i32 {
      %get3A_110 = arith.index_cast %scan3A_101 : i32 to index
      %get3A_111 = arith.constant 0 : index
      %get3A_112 = tpu.vector_load %arg9[%get3A_110, %get3A_111] {strides = array<i32>} : memref<40x128xi32, #tpu.memory_space<vmem>>, vector<16xi32>,
      %gather3A = tpu.vector_load_idx %arg6[%get3A_112] : memref<100352xf32, #tpu.memory_space<vmem>>[vector<16xi32>], vector<16xf32>,
      %add3A_113 = arith.addf %scan3A_102, %gather3A : vector<16xf32>
      %get3A_114 = arith.index_cast %scan3A_101 : i32 to index
      %get3A_115 = arith.constant 16 : index
      %get3A_116 = tpu.vector_load %arg9[%get3A_114, %get3A_115] {strides = array<i32>} : memref<40x128xi32, #tpu.memory_space<vmem>>, vector<16xi32>,
      %gather3A_117 = tpu.vector_load_idx %arg6[%get3A_116] : memref<100352xf32, #tpu.memory_space<vmem>>[vector<16xi32>], vector<16xf32>,
      %add3A_118 = arith.addf %scan3A_103, %gather3A_117 : vector<16xf32>
      %get3A_119 = arith.index_cast %scan3A_101 : i32 to index
      %get3A_120 = arith.constant 32 : index
      %get3A_121 = tpu.vector_load %arg9[%get3A_119, %get3A_120] {strides = array<i32>} : memref<40x128xi32, #tpu.memory_space<vmem>>, vector<16xi32>,
      %gather3A_122 = tpu.vector_load_idx %arg6[%get3A_121] : memref<100352xf32, #tpu.memory_space<vmem>>[vector<16xi32>], vector<16xf32>,
      %add3A_123 = arith.addf %scan3A_104, %gather3A_122 : vector<16xf32>
      %get3A_124 = arith.index_cast %scan3A_101 : i32 to index
      %get3A_125 = arith.constant 48 : index
      %get3A_126 = tpu.vector_load %arg9[%get3A_124, %get3A_125] {strides = array<i32>} : memref<40x128xi32, #tpu.memory_space<vmem>>, vector<16xi32>,
      %gather3A_127 = tpu.vector_load_idx %arg6[%get3A_126] : memref<100352xf32, #tpu.memory_space<vmem>>[vector<16xi32>], vector<16xf32>,
      %add3A_128 = arith.addf %scan3A_105, %gather3A_127 : vector<16xf32>
      %get3A_129 = arith.index_cast %scan3A_101 : i32 to index
      %get3A_130 = arith.constant 64 : index
      %get3A_131 = tpu.vector_load %arg9[%get3A_129, %get3A_130] {strides = array<i32>} : memref<40x128xi32, #tpu.memory_space<vmem>>, vector<16xi32>,
      %gather3A_132 = tpu.vector_load_idx %arg6[%get3A_131] : memref<100352xf32, #tpu.memory_space<vmem>>[vector<16xi32>], vector<16xf32>,
      %add3A_133 = arith.addf %scan3A_106, %gather3A_132 : vector<16xf32>
      %get3A_134 = arith.index_cast %scan3A_101 : i32 to index
      %get3A_135 = arith.constant 80 : index
      %get3A_136 = tpu.vector_load %arg9[%get3A_134, %get3A_135] {strides = array<i32>} : memref<40x128xi32, #tpu.memory_space<vmem>>, vector<16xi32>,
      %gather3A_137 = tpu.vector_load_idx %arg6[%get3A_136] : memref<100352xf32, #tpu.memory_space<vmem>>[vector<16xi32>], vector<16xf32>,
      %add3A_138 = arith.addf %scan3A_107, %gather3A_137 : vector<16xf32>
      %get3A_139 = arith.index_cast %scan3A_101 : i32 to index
      %get3A_140 = arith.constant 96 : index
      %get3A_141 = tpu.vector_load %arg9[%get3A_139, %get3A_140] {strides = array<i32>} : memref<40x128xi32, #tpu.memory_space<vmem>>, vector<16xi32>,
      %gather3A_142 = tpu.vector_load_idx %arg6[%get3A_141] : memref<100352xf32, #tpu.memory_space<vmem>>[vector<16xi32>], vector<16xf32>,
      %add3A_143 = arith.addf %scan3A_108, %gather3A_142 : vector<16xf32>
      %get3A_144 = arith.index_cast %scan3A_101 : i32 to index
      %get3A_145 = arith.constant 112 : index
      %get3A_146 = tpu.vector_load %arg9[%get3A_144, %get3A_145] {strides = array<i32>} : memref<40x128xi32, #tpu.memory_space<vmem>>, vector<16xi32>,
      %gather3A_147 = tpu.vector_load_idx %arg6[%get3A_146] : memref<100352xf32, #tpu.memory_space<vmem>>[vector<16xi32>], vector<16xf32>,
      %add3A_148 = arith.addf %scan3A_109, %gather3A_147 : vector<16xf32>
      scf.yield %add3A_113, %add3A_118, %add3A_123, %add3A_128, %add3A_133, %add3A_138, %add3A_143, %add3A_148 : vector<16xf32>, vector<16xf32>, vector<16xf32>, vector<16xf32>, vector<16xf32>, vector<16xf32>, vector<16xf32>, vector<16xf32>
    }
    %scan3A_47 = arith.constant 40 : i32
    %dma_wait3A_48 = arith.constant 80 : i32
    %dma_wait3A_49 = tpu.memref_slice %arg2[%dma_wait3A_48, %mul3A_2] : memref<200x4096xi32, #tpu.memory_space<hbm>> -> memref<40x128xi32, #tpu.memory_space<hbm>>
    %dma_wait3A_50 = arith.constant 80 : i32
    %dma_wait3A_51 = tpu.memref_slice %arg2[%dma_wait3A_50, %mul3A_2] : memref<200x4096xi32, #tpu.memory_space<hbm>> -> memref<40x128xi32, #tpu.memory_space<hbm>>
    tpu.wait_dma2 semaphore(%arg17 : memref<!tpu.dma_semaphore, #tpu.memory_space<semaphore_mem>>) src(%dma_wait3A_51 : memref<40x128xi32, #tpu.memory_space<hbm>>) dst(%arg10 : memref<40x128xi32, #tpu.memory_space<vmem>>)
    %scan3A_52 = arith.constant 0 : i32
    %scan3A_53 = arith.constant 40 : i32
    %scan3A_54 = arith.addi %scan3A_52, %scan3A_53 : i32
    %scan3A_55 = arith.constant 1 : i32
    %scan3A_56:8 = scf.for %scan3A_101 = %scan3A_52 to %scan3A_54 step %scan3A_55 iter_args(%scan3A_102 = %scan3A_46#0, %scan3A_103 = %scan3A_46#1, %scan3A_104 = %scan3A_46#2, %scan3A_105 = %scan3A_46#3, %scan3A_106 = %scan3A_46#4, %scan3A_107 = %scan3A_46#5, %scan3A_108 = %scan3A_46#6, %scan3A_109 = %scan3A_46#7) -> (vector<16xf32>, vector<16xf32>, vector<16xf32>, vector<16xf32>, vector<16xf32>, vector<16xf32>, vector<16xf32>, vector<16xf32>)  : i32 {
      %get3A_110 = arith.index_cast %scan3A_101 : i32 to index
      %get3A_111 = arith.constant 0 : index
      %get3A_112 = tpu.vector_load %arg10[%get3A_110, %get3A_111] {strides = array<i32>} : memref<40x128xi32, #tpu.memory_space<vmem>>, vector<16xi32>,
      %gather3A = tpu.vector_load_idx %arg6[%get3A_112] : memref<100352xf32, #tpu.memory_space<vmem>>[vector<16xi32>], vector<16xf32>,
      %add3A_113 = arith.addf %scan3A_102, %gather3A : vector<16xf32>
      %get3A_114 = arith.index_cast %scan3A_101 : i32 to index
      %get3A_115 = arith.constant 16 : index
      %get3A_116 = tpu.vector_load %arg10[%get3A_114, %get3A_115] {strides = array<i32>} : memref<40x128xi32, #tpu.memory_space<vmem>>, vector<16xi32>,
      %gather3A_117 = tpu.vector_load_idx %arg6[%get3A_116] : memref<100352xf32, #tpu.memory_space<vmem>>[vector<16xi32>], vector<16xf32>,
      %add3A_118 = arith.addf %scan3A_103, %gather3A_117 : vector<16xf32>
      %get3A_119 = arith.index_cast %scan3A_101 : i32 to index
      %get3A_120 = arith.constant 32 : index
      %get3A_121 = tpu.vector_load %arg10[%get3A_119, %get3A_120] {strides = array<i32>} : memref<40x128xi32, #tpu.memory_space<vmem>>, vector<16xi32>,
      %gather3A_122 = tpu.vector_load_idx %arg6[%get3A_121] : memref<100352xf32, #tpu.memory_space<vmem>>[vector<16xi32>], vector<16xf32>,
      %add3A_123 = arith.addf %scan3A_104, %gather3A_122 : vector<16xf32>
      %get3A_124 = arith.index_cast %scan3A_101 : i32 to index
      %get3A_125 = arith.constant 48 : index
      %get3A_126 = tpu.vector_load %arg10[%get3A_124, %get3A_125] {strides = array<i32>} : memref<40x128xi32, #tpu.memory_space<vmem>>, vector<16xi32>,
      %gather3A_127 = tpu.vector_load_idx %arg6[%get3A_126] : memref<100352xf32, #tpu.memory_space<vmem>>[vector<16xi32>], vector<16xf32>,
      %add3A_128 = arith.addf %scan3A_105, %gather3A_127 : vector<16xf32>
      %get3A_129 = arith.index_cast %scan3A_101 : i32 to index
      %get3A_130 = arith.constant 64 : index
      %get3A_131 = tpu.vector_load %arg10[%get3A_129, %get3A_130] {strides = array<i32>} : memref<40x128xi32, #tpu.memory_space<vmem>>, vector<16xi32>,
      %gather3A_132 = tpu.vector_load_idx %arg6[%get3A_131] : memref<100352xf32, #tpu.memory_space<vmem>>[vector<16xi32>], vector<16xf32>,
      %add3A_133 = arith.addf %scan3A_106, %gather3A_132 : vector<16xf32>
      %get3A_134 = arith.index_cast %scan3A_101 : i32 to index
      %get3A_135 = arith.constant 80 : index
      %get3A_136 = tpu.vector_load %arg10[%get3A_134, %get3A_135] {strides = array<i32>} : memref<40x128xi32, #tpu.memory_space<vmem>>, vector<16xi32>,
      %gather3A_137 = tpu.vector_load_idx %arg6[%get3A_136] : memref<100352xf32, #tpu.memory_space<vmem>>[vector<16xi32>], vector<16xf32>,
      %add3A_138 = arith.addf %scan3A_107, %gather3A_137 : vector<16xf32>
      %get3A_139 = arith.index_cast %scan3A_101 : i32 to index
      %get3A_140 = arith.constant 96 : index
      %get3A_141 = tpu.vector_load %arg10[%get3A_139, %get3A_140] {strides = array<i32>} : memref<40x128xi32, #tpu.memory_space<vmem>>, vector<16xi32>,
      %gather3A_142 = tpu.vector_load_idx %arg6[%get3A_141] : memref<100352xf32, #tpu.memory_space<vmem>>[vector<16xi32>], vector<16xf32>,
      %add3A_143 = arith.addf %scan3A_108, %gather3A_142 : vector<16xf32>
      %get3A_144 = arith.index_cast %scan3A_101 : i32 to index
      %get3A_145 = arith.constant 112 : index
      %get3A_146 = tpu.vector_load %arg10[%get3A_144, %get3A_145] {strides = array<i32>} : memref<40x128xi32, #tpu.memory_space<vmem>>, vector<16xi32>,
      %gather3A_147 = tpu.vector_load_idx %arg6[%get3A_146] : memref<100352xf32, #tpu.memory_space<vmem>>[vector<16xi32>], vector<16xf32>,
      %add3A_148 = arith.addf %scan3A_109, %gather3A_147 : vector<16xf32>
      scf.yield %add3A_113, %add3A_118, %add3A_123, %add3A_128, %add3A_133, %add3A_138, %add3A_143, %add3A_148 : vector<16xf32>, vector<16xf32>, vector<16xf32>, vector<16xf32>, vector<16xf32>, vector<16xf32>, vector<16xf32>, vector<16xf32>
    }
    %scan3A_57 = arith.constant 40 : i32
    %dma_wait3A_58 = arith.constant 120 : i32
    %dma_wait3A_59 = tpu.memref_slice %arg2[%dma_wait3A_58, %mul3A_2] : memref<200x4096xi32, #tpu.memory_space<hbm>> -> memref<40x128xi32, #tpu.memory_space<hbm>>
    %dma_wait3A_60 = arith.constant 120 : i32
    %dma_wait3A_61 = tpu.memref_slice %arg2[%dma_wait3A_60, %mul3A_2] : memref<200x4096xi32, #tpu.memory_space<hbm>> -> memref<40x128xi32, #tpu.memory_space<hbm>>
    tpu.wait_dma2 semaphore(%arg18 : memref<!tpu.dma_semaphore, #tpu.memory_space<semaphore_mem>>) src(%dma_wait3A_61 : memref<40x128xi32, #tpu.memory_space<hbm>>) dst(%arg11 : memref<40x128xi32, #tpu.memory_space<vmem>>)
    %scan3A_62 = arith.constant 0 : i32
    %scan3A_63 = arith.constant 40 : i32
    %scan3A_64 = arith.addi %scan3A_62, %scan3A_63 : i32
    %scan3A_65 = arith.constant 1 : i32
    %scan3A_66:8 = scf.for %scan3A_101 = %scan3A_62 to %scan3A_64 step %scan3A_65 iter_args(%scan3A_102 = %scan3A_56#0, %scan3A_103 = %scan3A_56#1, %scan3A_104 = %scan3A_56#2, %scan3A_105 = %scan3A_56#3, %scan3A_106 = %scan3A_56#4, %scan3A_107 = %scan3A_56#5, %scan3A_108 = %scan3A_56#6, %scan3A_109 = %scan3A_56#7) -> (vector<16xf32>, vector<16xf32>, vector<16xf32>, vector<16xf32>, vector<16xf32>, vector<16xf32>, vector<16xf32>, vector<16xf32>)  : i32 {
      %get3A_110 = arith.index_cast %scan3A_101 : i32 to index
      %get3A_111 = arith.constant 0 : index
      %get3A_112 = tpu.vector_load %arg11[%get3A_110, %get3A_111] {strides = array<i32>} : memref<40x128xi32, #tpu.memory_space<vmem>>, vector<16xi32>,
      %gather3A = tpu.vector_load_idx %arg6[%get3A_112] : memref<100352xf32, #tpu.memory_space<vmem>>[vector<16xi32>], vector<16xf32>,
      %add3A_113 = arith.addf %scan3A_102, %gather3A : vector<16xf32>
      %get3A_114 = arith.index_cast %scan3A_101 : i32 to index
      %get3A_115 = arith.constant 16 : index
      %get3A_116 = tpu.vector_load %arg11[%get3A_114, %get3A_115] {strides = array<i32>} : memref<40x128xi32, #tpu.memory_space<vmem>>, vector<16xi32>,
      %gather3A_117 = tpu.vector_load_idx %arg6[%get3A_116] : memref<100352xf32, #tpu.memory_space<vmem>>[vector<16xi32>], vector<16xf32>,
      %add3A_118 = arith.addf %scan3A_103, %gather3A_117 : vector<16xf32>
      %get3A_119 = arith.index_cast %scan3A_101 : i32 to index
      %get3A_120 = arith.constant 32 : index
      %get3A_121 = tpu.vector_load %arg11[%get3A_119, %get3A_120] {strides = array<i32>} : memref<40x128xi32, #tpu.memory_space<vmem>>, vector<16xi32>,
      %gather3A_122 = tpu.vector_load_idx %arg6[%get3A_121] : memref<100352xf32, #tpu.memory_space<vmem>>[vector<16xi32>], vector<16xf32>,
      %add3A_123 = arith.addf %scan3A_104, %gather3A_122 : vector<16xf32>
      %get3A_124 = arith.index_cast %scan3A_101 : i32 to index
      %get3A_125 = arith.constant 48 : index
      %get3A_126 = tpu.vector_load %arg11[%get3A_124, %get3A_125] {strides = array<i32>} : memref<40x128xi32, #tpu.memory_space<vmem>>, vector<16xi32>,
      %gather3A_127 = tpu.vector_load_idx %arg6[%get3A_126] : memref<100352xf32, #tpu.memory_space<vmem>>[vector<16xi32>], vector<16xf32>,
      %add3A_128 = arith.addf %scan3A_105, %gather3A_127 : vector<16xf32>
      %get3A_129 = arith.index_cast %scan3A_101 : i32 to index
      %get3A_130 = arith.constant 64 : index
      %get3A_131 = tpu.vector_load %arg11[%get3A_129, %get3A_130] {strides = array<i32>} : memref<40x128xi32, #tpu.memory_space<vmem>>, vector<16xi32>,
      %gather3A_132 = tpu.vector_load_idx %arg6[%get3A_131] : memref<100352xf32, #tpu.memory_space<vmem>>[vector<16xi32>], vector<16xf32>,
      %add3A_133 = arith.addf %scan3A_106, %gather3A_132 : vector<16xf32>
      %get3A_134 = arith.index_cast %scan3A_101 : i32 to index
      %get3A_135 = arith.constant 80 : index
      %get3A_136 = tpu.vector_load %arg11[%get3A_134, %get3A_135] {strides = array<i32>} : memref<40x128xi32, #tpu.memory_space<vmem>>, vector<16xi32>,
      %gather3A_137 = tpu.vector_load_idx %arg6[%get3A_136] : memref<100352xf32, #tpu.memory_space<vmem>>[vector<16xi32>], vector<16xf32>,
      %add3A_138 = arith.addf %scan3A_107, %gather3A_137 : vector<16xf32>
      %get3A_139 = arith.index_cast %scan3A_101 : i32 to index
      %get3A_140 = arith.constant 96 : index
      %get3A_141 = tpu.vector_load %arg11[%get3A_139, %get3A_140] {strides = array<i32>} : memref<40x128xi32, #tpu.memory_space<vmem>>, vector<16xi32>,
      %gather3A_142 = tpu.vector_load_idx %arg6[%get3A_141] : memref<100352xf32, #tpu.memory_space<vmem>>[vector<16xi32>], vector<16xf32>,
      %add3A_143 = arith.addf %scan3A_108, %gather3A_142 : vector<16xf32>
      %get3A_144 = arith.index_cast %scan3A_101 : i32 to index
      %get3A_145 = arith.constant 112 : index
      %get3A_146 = tpu.vector_load %arg11[%get3A_144, %get3A_145] {strides = array<i32>} : memref<40x128xi32, #tpu.memory_space<vmem>>, vector<16xi32>,
      %gather3A_147 = tpu.vector_load_idx %arg6[%get3A_146] : memref<100352xf32, #tpu.memory_space<vmem>>[vector<16xi32>], vector<16xf32>,
      %add3A_148 = arith.addf %scan3A_109, %gather3A_147 : vector<16xf32>
      scf.yield %add3A_113, %add3A_118, %add3A_123, %add3A_128, %add3A_133, %add3A_138, %add3A_143, %add3A_148 : vector<16xf32>, vector<16xf32>, vector<16xf32>, vector<16xf32>, vector<16xf32>, vector<16xf32>, vector<16xf32>, vector<16xf32>
    }
    %scan3A_67 = arith.constant 40 : i32
    %dma_wait3A_68 = arith.constant 160 : i32
    %dma_wait3A_69 = tpu.memref_slice %arg2[%dma_wait3A_68, %mul3A_2] : memref<200x4096xi32, #tpu.memory_space<hbm>> -> memref<40x128xi32, #tpu.memory_space<hbm>>
    %dma_wait3A_70 = arith.constant 160 : i32
    %dma_wait3A_71 = tpu.memref_slice %arg2[%dma_wait3A_70, %mul3A_2] : memref<200x4096xi32, #tpu.memory_space<hbm>> -> memref<40x128xi32, #tpu.memory_space<hbm>>
    tpu.wait_dma2 semaphore(%arg15 : memref<!tpu.dma_semaphore, #tpu.memory_space<semaphore_mem>>) src(%dma_wait3A_71 : memref<40x128xi32, #tpu.memory_space<hbm>>) dst(%arg8 : memref<40x128xi32, #tpu.memory_space<vmem>>)
    %scan3A_72 = arith.constant 0 : i32
    %scan3A_73 = arith.constant 40 : i32
    %scan3A_74 = arith.addi %scan3A_72, %scan3A_73 : i32
    %scan3A_75 = arith.constant 1 : i32
    %scan3A_76:8 = scf.for %scan3A_101 = %scan3A_72 to %scan3A_74 step %scan3A_75 iter_args(%scan3A_102 = %scan3A_66#0, %scan3A_103 = %scan3A_66#1, %scan3A_104 = %scan3A_66#2, %scan3A_105 = %scan3A_66#3, %scan3A_106 = %scan3A_66#4, %scan3A_107 = %scan3A_66#5, %scan3A_108 = %scan3A_66#6, %scan3A_109 = %scan3A_66#7) -> (vector<16xf32>, vector<16xf32>, vector<16xf32>, vector<16xf32>, vector<16xf32>, vector<16xf32>, vector<16xf32>, vector<16xf32>)  : i32 {
      %get3A_110 = arith.index_cast %scan3A_101 : i32 to index
      %get3A_111 = arith.constant 0 : index
      %get3A_112 = tpu.vector_load %arg8[%get3A_110, %get3A_111] {strides = array<i32>} : memref<40x128xi32, #tpu.memory_space<vmem>>, vector<16xi32>,
      %gather3A = tpu.vector_load_idx %arg6[%get3A_112] : memref<100352xf32, #tpu.memory_space<vmem>>[vector<16xi32>], vector<16xf32>,
      %add3A_113 = arith.addf %scan3A_102, %gather3A : vector<16xf32>
      %get3A_114 = arith.index_cast %scan3A_101 : i32 to index
      %get3A_115 = arith.constant 16 : index
      %get3A_116 = tpu.vector_load %arg8[%get3A_114, %get3A_115] {strides = array<i32>} : memref<40x128xi32, #tpu.memory_space<vmem>>, vector<16xi32>,
      %gather3A_117 = tpu.vector_load_idx %arg6[%get3A_116] : memref<100352xf32, #tpu.memory_space<vmem>>[vector<16xi32>], vector<16xf32>,
      %add3A_118 = arith.addf %scan3A_103, %gather3A_117 : vector<16xf32>
      %get3A_119 = arith.index_cast %scan3A_101 : i32 to index
      %get3A_120 = arith.constant 32 : index
      %get3A_121 = tpu.vector_load %arg8[%get3A_119, %get3A_120] {strides = array<i32>} : memref<40x128xi32, #tpu.memory_space<vmem>>, vector<16xi32>,
      %gather3A_122 = tpu.vector_load_idx %arg6[%get3A_121] : memref<100352xf32, #tpu.memory_space<vmem>>[vector<16xi32>], vector<16xf32>,
      %add3A_123 = arith.addf %scan3A_104, %gather3A_122 : vector<16xf32>
      %get3A_124 = arith.index_cast %scan3A_101 : i32 to index
      %get3A_125 = arith.constant 48 : index
      %get3A_126 = tpu.vector_load %arg8[%get3A_124, %get3A_125] {strides = array<i32>} : memref<40x128xi32, #tpu.memory_space<vmem>>, vector<16xi32>,
      %gather3A_127 = tpu.vector_load_idx %arg6[%get3A_126] : memref<100352xf32, #tpu.memory_space<vmem>>[vector<16xi32>], vector<16xf32>,
      %add3A_128 = arith.addf %scan3A_105, %gather3A_127 : vector<16xf32>
      %get3A_129 = arith.index_cast %scan3A_101 : i32 to index
      %get3A_130 = arith.constant 64 : index
      %get3A_131 = tpu.vector_load %arg8[%get3A_129, %get3A_130] {strides = array<i32>} : memref<40x128xi32, #tpu.memory_space<vmem>>, vector<16xi32>,
      %gather3A_132 = tpu.vector_load_idx %arg6[%get3A_131] : memref<100352xf32, #tpu.memory_space<vmem>>[vector<16xi32>], vector<16xf32>,
      %add3A_133 = arith.addf %scan3A_106, %gather3A_132 : vector<16xf32>
      %get3A_134 = arith.index_cast %scan3A_101 : i32 to index
      %get3A_135 = arith.constant 80 : index
      %get3A_136 = tpu.vector_load %arg8[%get3A_134, %get3A_135] {strides = array<i32>} : memref<40x128xi32, #tpu.memory_space<vmem>>, vector<16xi32>,
      %gather3A_137 = tpu.vector_load_idx %arg6[%get3A_136] : memref<100352xf32, #tpu.memory_space<vmem>>[vector<16xi32>], vector<16xf32>,
      %add3A_138 = arith.addf %scan3A_107, %gather3A_137 : vector<16xf32>
      %get3A_139 = arith.index_cast %scan3A_101 : i32 to index
      %get3A_140 = arith.constant 96 : index
      %get3A_141 = tpu.vector_load %arg8[%get3A_139, %get3A_140] {strides = array<i32>} : memref<40x128xi32, #tpu.memory_space<vmem>>, vector<16xi32>,
      %gather3A_142 = tpu.vector_load_idx %arg6[%get3A_141] : memref<100352xf32, #tpu.memory_space<vmem>>[vector<16xi32>], vector<16xf32>,
      %add3A_143 = arith.addf %scan3A_108, %gather3A_142 : vector<16xf32>
      %get3A_144 = arith.index_cast %scan3A_101 : i32 to index
      %get3A_145 = arith.constant 112 : index
      %get3A_146 = tpu.vector_load %arg8[%get3A_144, %get3A_145] {strides = array<i32>} : memref<40x128xi32, #tpu.memory_space<vmem>>, vector<16xi32>,
      %gather3A_147 = tpu.vector_load_idx %arg6[%get3A_146] : memref<100352xf32, #tpu.memory_space<vmem>>[vector<16xi32>], vector<16xf32>,
      %add3A_148 = arith.addf %scan3A_109, %gather3A_147 : vector<16xf32>
      scf.yield %add3A_113, %add3A_118, %add3A_123, %add3A_128, %add3A_133, %add3A_138, %add3A_143, %add3A_148 : vector<16xf32>, vector<16xf32>, vector<16xf32>, vector<16xf32>, vector<16xf32>, vector<16xf32>, vector<16xf32>, vector<16xf32>
    }
    %scan3A_77 = arith.constant 40 : i32
    %add3A_78 = arith.addf %scan3A_76#0, %get3A_23 : vector<16xf32>
    %swap3A = arith.constant 0 : index
    %swap3A_79 = tpu.vector_load %arg12[%swap3A] {strides = array<i32>} : memref<128xf32, #tpu.memory_space<vmem>>, vector<16xf32>,
    tpu.vector_store %arg12[%swap3A], %add3A_78 {strides = array<i32>} : memref<128xf32, #tpu.memory_space<vmem>>, vector<16xf32>,
    %add3A_80 = arith.addf %scan3A_76#1, %get3A_23 : vector<16xf32>
    %swap3A_81 = arith.constant 16 : index
    %swap3A_82 = tpu.vector_load %arg12[%swap3A_81] {strides = array<i32>} : memref<128xf32, #tpu.memory_space<vmem>>, vector<16xf32>,
    tpu.vector_store %arg12[%swap3A_81], %add3A_80 {strides = array<i32>} : memref<128xf32, #tpu.memory_space<vmem>>, vector<16xf32>,
    %add3A_83 = arith.addf %scan3A_76#2, %get3A_23 : vector<16xf32>
    %swap3A_84 = arith.constant 32 : index
    %swap3A_85 = tpu.vector_load %arg12[%swap3A_84] {strides = array<i32>} : memref<128xf32, #tpu.memory_space<vmem>>, vector<16xf32>,
    tpu.vector_store %arg12[%swap3A_84], %add3A_83 {strides = array<i32>} : memref<128xf32, #tpu.memory_space<vmem>>, vector<16xf32>,
    %add3A_86 = arith.addf %scan3A_76#3, %get3A_23 : vector<16xf32>
    %swap3A_87 = arith.constant 48 : index
    %swap3A_88 = tpu.vector_load %arg12[%swap3A_87] {strides = array<i32>} : memref<128xf32, #tpu.memory_space<vmem>>, vector<16xf32>,
    tpu.vector_store %arg12[%swap3A_87], %add3A_86 {strides = array<i32>} : memref<128xf32, #tpu.memory_space<vmem>>, vector<16xf32>,
    %add3A_89 = arith.addf %scan3A_76#4, %get3A_23 : vector<16xf32>
    %swap3A_90 = arith.constant 64 : index
    %swap3A_91 = tpu.vector_load %arg12[%swap3A_90] {strides = array<i32>} : memref<128xf32, #tpu.memory_space<vmem>>, vector<16xf32>,
    tpu.vector_store %arg12[%swap3A_90], %add3A_89 {strides = array<i32>} : memref<128xf32, #tpu.memory_space<vmem>>, vector<16xf32>,
    %add3A_92 = arith.addf %scan3A_76#5, %get3A_23 : vector<16xf32>
    %swap3A_93 = arith.constant 80 : index
    %swap3A_94 = tpu.vector_load %arg12[%swap3A_93] {strides = array<i32>} : memref<128xf32, #tpu.memory_space<vmem>>, vector<16xf32>,
    tpu.vector_store %arg12[%swap3A_93], %add3A_92 {strides = array<i32>} : memref<128xf32, #tpu.memory_space<vmem>>, vector<16xf32>,
    %add3A_95 = arith.addf %scan3A_76#6, %get3A_23 : vector<16xf32>
    %swap3A_96 = arith.constant 96 : index
    %swap3A_97 = tpu.vector_load %arg12[%swap3A_96] {strides = array<i32>} : memref<128xf32, #tpu.memory_space<vmem>>, vector<16xf32>,
    tpu.vector_store %arg12[%swap3A_96], %add3A_95 {strides = array<i32>} : memref<128xf32, #tpu.memory_space<vmem>>, vector<16xf32>,
    %add3A_98 = arith.addf %scan3A_76#7, %get3A_23 : vector<16xf32>
    %swap3A_99 = arith.constant 112 : index
    %swap3A_100 = tpu.vector_load %arg12[%swap3A_99] {strides = array<i32>} : memref<128xf32, #tpu.memory_space<vmem>>, vector<16xf32>,
    tpu.vector_store %arg12[%swap3A_99], %add3A_98 {strides = array<i32>} : memref<128xf32, #tpu.memory_space<vmem>>, vector<16xf32>,
    "tpu.region"() ({
      %run_scoped3A = tpu.sem_alloc : memref<!tpu.dma_semaphore, #tpu.memory_space<semaphore_mem>>
      %dma_start3A_101 = tpu.memref_slice %arg5[%mul3A_2] : memref<4096xf32, #tpu.memory_space<hbm>> -> memref<128xf32, #tpu.memory_space<hbm>>
      %dma_start3A_102 = tpu.memref_slice %arg5[%mul3A_2] : memref<4096xf32, #tpu.memory_space<hbm>> -> memref<128xf32, #tpu.memory_space<hbm>>
      tpu.enqueue_dma source(%arg12 : memref<128xf32, #tpu.memory_space<vmem>>) target(%dma_start3A_102 : memref<128xf32, #tpu.memory_space<hbm>>) target_semaphore(%run_scoped3A : memref<!tpu.dma_semaphore, #tpu.memory_space<semaphore_mem>>)
      %dma_wait3A_103 = tpu.memref_slice %arg5[%mul3A_2] : memref<4096xf32, #tpu.memory_space<hbm>> -> memref<128xf32, #tpu.memory_space<hbm>>
      %dma_wait3A_104 = tpu.memref_slice %arg5[%mul3A_2] : memref<4096xf32, #tpu.memory_space<hbm>> -> memref<128xf32, #tpu.memory_space<hbm>>
      tpu.wait_dma2 semaphore(%run_scoped3A : memref<!tpu.dma_semaphore, #tpu.memory_space<semaphore_mem>>) src(%arg12 : memref<128xf32, #tpu.memory_space<vmem>>) dst(%dma_wait3A_104 : memref<128xf32, #tpu.memory_space<hbm>>)
      tpu.yield
    }) : () -> ()
    return
  }
}

</mosaic_0001>

<sc_bundles>
// kernel: kernel.3.cloned.1.call-start
scs
__scs_entry_jumppad:
0x0: {  	(pc) =	sbr.rel $0x88, $3  }
0x1: {  	(tag) =	ssettag $0x0;
	lr =	simm.s32 $0x1  }
0x2: {  	[smem:$0x3F9E] =	sst lr;
	_ =	strace $0xD0000000  }
0x3: {  	_ = 	snop  }
0x4: {  	_ = 	snop  }
0x5: {  	_ = 	snop  }
0x6: {  	_ = 	snop  }
0x7: {  	_ = 	snop  }
__scs_overlays_trampoline_lowered:
0x8: {  	[smem:$0x3FAD] =	sst s0  }
0x9: {  	[smem:$0x3FAE] =	sst s1  }
0xa: {  	[smem:$0x3FAF] =	sst s2  }
0xb: {  	[smem:$0x3FB0] =	sst s3  }
0xc: {  	[smem:$0x3FB1] =	sst s4  }
0xd: {  	[smem:$0x3FB2] =	sst s5  }
0xe: {  	[smem:$0x3FB3] =	sst s6  }
0xf: {  	[smem:$0x3FB4] =	sst s7  }
0x10: {  	[smem:$0x3FB5] =	sst s8  }
0x11: {  	[smem:$0x3FB6] =	sst s9;
	s0 =	simm.s32 @!p0 $0x0  }
0x12: {  	s1 =	sld [smem:$0x3F9C];
	s0 =	simm.s32 @p0 $0x1  }
0x13: {  	[smem:$0x3FB7] =	sst s0;
	s0 =	simm.s32 @!p1 $0x0  }
0x14: {  	s2 =	sld [smem:$0x3F9B];
	s0 =	simm.s32 @p1 $0x1  }
0x15: {  	[smem:$0x3FB8] =	sst s0;
	s0 =	simm.s32 @!p2 $0x0  }
0x16: {  	s3 =	sld [smem:$0x3FDB];
	s0 =	simm.s32 @p2 $0x1  }
0x17: {  	s4 =	simm.s32 $0x1BF5;
	[smem:$0x3FBA] =	sst s0  }
0x18: {  	s0 =	sld [smem:$0x3F9D];
	_ =	swait.ge [sflag:s4], $0x0  }
0x19: {  	s7 =	sld [smem:$0x3F9E]  }
0x1a: {  	s8 =	sadd.s32 $0xFFFFE003, lr  }
0x1b: {  	s9 =	sadd.s32 $0xFFFFFEF7, lr;
	s5 =	simm.s32 $0xFFFFFFFF;
	p2 =	slt.u32 s8, $0xFFFFF086  }
0x1c: {  	p1 =	slt.u32 s9, $0xF7A;
	s5 =	simm.s32 @!p2 $0x0  }
0x1d: {  	s5 =	simm.s32 @p1 $0x1;
	p0 =	seq.s32 s7, s2  }
0x1e: {  	s7 =	smul.u32 @!p0 $0xF7A, s2;
	p2 =	seq.s32 @!p0 s5, $0x0  }
0x1f: {  	s9 =	smul.u32 $0xF7A, s1;
	s8 =	simm.s32 @!p0 $0x1BF5;
	p2 =	por !p2, p0  }
0x20: {  	[sflag:s8] =	ssyncset.s32 @!p0 $0xFFFFF086;
	s6 =	sadd.s32 @!p0 s3, s7;
	s7 =	simm.s32 @!p0 $0x108  }
0x21: {  	s3 =	sadd.s32 s3, s9;
	s6 =	sadd.s32 @!p0 $0x88, s6;
	s7 =	simm.s32 @p2 $0x1082  }
0x22: {  	[simem:s7], [sflag:s8] =	dma.local @!p0 [hbm:s6], $0xF7A  }
0x23: {  	s9 =	sor.u32 $0xD0000000, s2;
	s6 =	simm.s32 $0x108;
	_ =	swait.ge @!p0 [sflag:s8], $0x0  }
0x24: {  	s3 =	sadd.s32 $0x88, s3;
	s6 =	simm.s32 @!p1 $0x1082;
	[sflag:s4] =	ssyncset.s32 $0xFFFFF086  }
0x25: {  	[simem:s6], [sflag:s4] =	dma.local [hbm:s3], $0xF7A  }
0x26: {  	[smem:$0x3F9E] =	sst s1;
	(tag) =	ssettag s2;
	_ =	strace s9  }
0x27: {  	s1 =	sld [smem:$0x3FAE]  }
0x28: {  	s2 =	sld [smem:$0x3FAF]  }
0x29: {  	s4 =	sld [smem:$0x3FB1]  }
0x2a: {  	p0 =	seq.s32 s5, $0x0;
	s5 =	sld [smem:$0x3FB2]  }
0x2b: {  	s6 =	sld [smem:$0x3FB3]  }
0x2c: {  	s7 =	sld [smem:$0x3FB4]  }
0x2d: {  	s3 =	simm.s32 $0x108;
	s8 =	sld [smem:$0x3FB5]  }
0x2e: {  	s3 =	simm.s32 @!p0 $0x1082;
	s9 =	sld [smem:$0x3FB6]  }
0x2f: {  	lr =	sadd.s32 s0, s3;
	s0 =	sld [smem:$0x3FAD]  }
0x30: {  	s3 =	sld [smem:$0x3FB0]  }
0x31: {  	[smem:$0x3FB9] =	sst s10  }
0x32: {  	s10 =	sld [smem:$0x3FB7];
	_ =	sdelay $0x3  }
0x33: {  	p0 =	seq.s32 s10, $0x1;
	s10 =	sld [smem:$0x3FB9];
	_ =	sdelay $0x3  }
0x34: {  	[smem:$0x3FB9] =	sst s10  }
0x35: {  	s10 =	sld [smem:$0x3FB8];
	_ =	sdelay $0x3  }
0x36: {  	p1 =	seq.s32 s10, $0x1;
	s10 =	sld [smem:$0x3FB9];
	_ =	sdelay $0x3  }
0x37: {  	[smem:$0x3FB9] =	sst s10  }
0x38: {  	s10 =	sld [smem:$0x3FBA]  }
0x39: {  	_ = 	snop;
	(pc) =	sbr.ind lr, $3  }
0x3a: {  	_ = 	snop  }
0x3b: {  	_ = 	snop  }
0x3c: {  	p2 =	seq.s32 s10, $0x1;
	s10 =	sld [smem:$0x3FB9]  }
0x3d: {  	_ =	shalt  }
0x3e: {  	_ =	shalt  }
0x3f: {  	_ =	shalt  }
0x40: {  	_ =	shalt  }
0x41: {  	_ =	shalt  }
0x42: {  	_ =	shalt  }
0x43: {  	_ =	shalt  }
0x44: {  	_ =	shalt  }
0x45: {  	_ =	shalt  }
0x46: {  	_ =	shalt  }
0x47: {  	_ =	shalt  }
0x48: {  	_ =	shalt  }
0x49: {  	_ =	shalt  }
0x4a: {  	_ =	shalt  }
0x4b: {  	_ =	shalt  }
0x4c: {  	_ =	shalt  }
0x4d: {  	_ =	shalt  }
0x4e: {  	_ =	shalt  }
0x4f: {  	_ =	shalt  }
0x50: {  	_ =	shalt  }
0x51: {  	_ =	shalt  }
0x52: {  	_ =	shalt  }
0x53: {  	_ =	shalt  }
0x54: {  	_ =	shalt  }
0x55: {  	_ =	shalt  }
0x56: {  	_ =	shalt  }
0x57: {  	_ =	shalt  }
0x58: {  	_ =	shalt  }
0x59: {  	_ =	shalt  }
0x5a: {  	_ =	shalt  }
0x5b: {  	_ =	shalt  }
0x5c: {  	_ =	shalt  }
0x5d: {  	_ =	shalt  }
0x5e: {  	_ =	shalt  }
0x5f: {  	_ =	shalt  }
0x60: {  	_ =	shalt  }
0x61: {  	_ =	shalt  }
0x62: {  	_ =	shalt  }
0x63: {  	_ =	shalt  }
0x64: {  	_ =	shalt  }
0x65: {  	_ =	shalt  }
0x66: {  	_ =	shalt  }
0x67: {  	_ =	shalt  }
0x68: {  	_ =	shalt  }
0x69: {  	_ =	shalt  }
0x6a: {  	_ =	shalt  }
0x6b: {  	_ =	shalt  }
0x6c: {  	_ =	shalt  }
0x6d: {  	_ =	shalt  }
0x6e: {  	_ =	shalt  }
0x6f: {  	_ =	shalt  }
0x70: {  	_ =	shalt  }
0x71: {  	_ =	shalt  }
0x72: {  	_ =	shalt  }
0x73: {  	_ =	shalt  }
0x74: {  	_ =	shalt  }
0x75: {  	_ =	shalt  }
0x76: {  	_ =	shalt  }
0x77: {  	_ =	shalt  }
0x78: {  	_ =	shalt  }
0x79: {  	_ =	shalt  }
0x7a: {  	_ =	shalt  }
0x7b: {  	_ =	shalt  }
0x7c: {  	_ =	shalt  }
0x7d: {  	_ =	shalt  }
0x7e: {  	_ =	shalt  }
0x7f: {  	_ =	shalt  }
0x80: {  	_ =	shalt  }
0x81: {  	_ =	shalt  }
0x82: {  	_ =	shalt  }
0x83: {  	_ =	shalt  }
0x84: {  	_ =	shalt  }
0x85: {  	_ =	shalt  }
0x86: {  	_ =	shalt  }
0x87: {  	_ =	shalt  }
.Lfunc_end0:
.L_simem_size_0:
called_computation_lowered:
.L_overlay_start_0:
0x88: {  	s2 =	sld [smem:$0x3FD9]  }
0x89: {  	s3 =	sld [smem:$0x3FFE];
	_ =	sdelay $0x1  }
0x8a: {  	s1 =	srdreg.scid  }
0x8b: {  	s0 =	sand.u32 $0x1, s1  }
0x8c: {  	s17 =	sshll.u32 s0, $0xA;
	s2 =	sadd.s32 s3, s2  }
0x8d: {  	s2 =	sadd.s32 s2, s17  }
0x8e: {  	[smem:$0x3FC5] =	sst s2  }
0x8f: {  	_ = 	snop  }
0x90: {  	s2 =	sld [smem:$0x3FC9]  }
0x91: {  	s18 =	sld [smem:$0x3FD0];
	(tm) =	ssettm $0x1  }
0x92: {  	s4 =	sld [smem:$0x3FFB];
	_ =	sdelay $0x3  }
0x93: {  	_ =	strace s4  }
0x94: {  	s4 =	sld [smem:$0x3FFC];
	_ =	sdelay $0x3  }
0x95: {  	_ =	strace s4  }
0x96: {  	s4 =	sld [smem:$0x3FFD];
	_ =	sdelay $0x3  }
0x97: {  	_ =	strace s4  }
0x98: {  	_ =	strace $0x8FFFFFFF  }
0x99: {  	s19 =	sld [smem:$0x3FDB];
	_ =	sdelay $0x1  }
0x9a: {  	s5 =	simm.s32 $_scs_section_size  }
0x9b: {  	s6 =	simm.s32 $_size__tile_overlayer_lowered;
	s7 =	simm.s32 $_tile_overlayer_lowered  }
0x9c: {  	s22 =	simm.s32 $0x1BFF;
	s21 =	sshll.u32 s7, $0x1;
	s4 =	sadd.s32 s5, s19  }
0x9d: {  	s8 =	simm.s32 $0x0;
	s20 =	sshll.u32 s6, $0x1;
	s6 =	sadd.s32 s21, s4  }
0x9e: {  	[timem:s8], [sflag:s22] =	dma.local [hbm:s6], s20  }
0x9f: {  	_ =	swait.ge [sflag:s22], s20  }
0xa0: {  	s5 =	ssub.s32 $0x0, s20;
	[sflag:s22] =	ssyncset.done $0x0  }
0xa1: {  	[sflag:s22] =	ssyncadd.s32 s5;
	_ =	sdelay $0x1  }
0xa2: {  	s23 =	simm.s32 $0x1B8B  }
0xa3: {  	_ =	swait.ge [sflag:s23], $0x1  }
0xa4: {  	[sflag:s23] =	ssyncset.done $0x0  }
0xa5: {  	s25 =	simm.s32 $0x1B8E;
	s24 =	sld [smem:$0x3FFE];
	[sflag:s23] =	ssyncadd.s32 $0xFFFFFFFF  }
0xa6: {  	s26 =	simm.s32 $execute0_lowered;
	[smem:$0x3FD2] =	sst s25  }
0xa7: {  	s6 =	sshll.u32 s26, $0x1;
	_ =	strace $0x80000046;
	[dreg:$0x1] =	wrdreg $0xFFFFFFFF  }
0xa8: {  	s28 =	simm.s32 $_size_execute0_lowered;
	s4 =	sadd.s32 s4, s6;
	[dreg:$0x0] =	wrdreg $0x0  }
0xa9: {  	s6 =	sshll.u32 s28, $0x1;
	[dreg:$0x2] =	wrdreg s4  }
0xaa: {  	[dreg:$0x3] =	wrdreg s6  }
0xab: {  	[dreg:$0x4] =	wrdreg $0xC0  }
0xac: {  	_ =	task [dreg:s8], $0x5FFFF  }
0xad: {  	[dreg:$0x1] =	wrdreg $0xFFFFFFFF  }
0xae: {  	[dreg:$0x0] =	wrdreg $0x60  }
0xaf: {  	[dreg:$0x2] =	wrdreg s2  }
0xb0: {  	[dreg:$0x3] =	wrdreg s24  }
0xb1: {  	[dreg:$0x4] =	wrdreg s18  }
0xb2: {  	[dreg:$0x5] =	wrdreg $0x188000  }
0xb3: {  	[dreg:$0x6] =	wrdreg $0x9  }
0xb4: {  	_ =	task.clear_ibuf [dreg:s8], $0x7FFFF;
	_ =	strace $0x90000046  }
0xb5: {  	s29 =	simm.s32 $0x9;
	_ =	strace $0x80000048  }
0xb6: {  	_ =	swait.ge [sflag:s29], $0x1  }
0xb7: {  	[sflag:s29] =	ssyncadd.s32 $0xFFFFFFFF  }
0xb8: {  	_ =	strace $0x90000048  }
0xb9: {  	_ =	sfence  }
0xba: {  	s30 =	sld [smem:$0x0];
	_ =	sdelay $0x2  }
0xbb: {  	s31 =	sshll.u32 s1, $0xD;
	s1 =	sshrl.u32 s1, $0x2  }
0xbc: {  	s3 =	sand.u32 $0x4000, s31;
	s1 =	sadd.s32 s1, s30  }
0xbd: {  	s0 =	sor.u32 s3, s0;
	s1 =	sshll.u32 s1, $0x11  }
0xbe: {  	s0 =	sor.u32 s1, s0  }
0xbf: {  	s0 =	sadd.s32 $0x8F2B, s0  }
0xc0: {  	[sflag:s0] =	ssyncadd.remote.s32 $0x1  }
0xc1: {  	_ =	sfence.sel $0xFFFF  }
0xc2: {  	[dreg:$0x0] =	wrdreg $0xFFFFFFFF;
	(pc) =	sbr.abs _section_cstart, $3  }
0xc3: {  	[dreg:$0x1] =	wrdreg $0xFFFFFFFF  }
0xc4: {  	_ =	task.clear_ibuf [dreg:s8], $0x2FFFF;
	_ =	strace $0x9FFFFFFF  }
0xc5: {  	(tm) =	ssettm $0x7FFFFFFF  }
tec
execute0_lowered:
.L_overlay_start_1:
0x0: {  	(tag) =	ssettag $0x1  }
0x1: {  	s0 =	rddreg [dreg:$0x0]  }
0x2: {  	s4 =	rddreg [dreg:$0x1]  }
0x3: {  	s11 =	rddreg [dreg:$0x2]  }
0x4: {  	s2 =	rddreg [dreg:$0x3];
	s3 =	simm.s32 $0x0;
	s1 =	stileid.u32  }
0x5: {  	s5 =	srdreg.scid;
	s14 =	simm.s32 $0x8000;
	s15 =	simm.s32 $0x1A080  }
0x6: {  	s16 =	simm.s32 $0x1B480;
	s17 =	simm.s32 $0x1C880;
	s18 =	simm.s32 $0x1DC80  }
0x7: {  	s19 =	simm.s32 $0x1F100;
	s20 =	simm.s32 $0x6;
	s23 =	simm.s32 $0x1  }
0x8: {  	s24 =	simm.s32 $0x2;
	s28 =	simm.s32 $0x5;
	s29 =	simm.s32 $0x1F080  }
0x9: {  	s30 =	simm.s32 $0x0;
	[smem:$0x7FF] =	sst s3;
	s9 =	smul.u32 $0x1880, s1  }
0xa: {  	s5 =	sand.u32 $0x1, s5;
	s6 =	sshll.u32 s1, $0x1;
	s21 =	sshll.u32 s1, $0x6  }
0xb: {  	_ =	strace $0x80000047;
	s8 =	ssub.s32 $0x2, s5;
	s10 =	sor.u32 s5, s6  }
0xc: {  	s21 =	sor.u32 $0x1C01, s21;
	s7 =	sshrl.u32 s9, $0x3;
	s25 =	sshrl.u32 s8, $0x1  }
0xd: {  	s6 =	sshll.u32 s10, $0x7;
	s26 =	sadd.s32 s9, s2;
	s31 =	sshll.u32 s10, $0x4  }
0xe: {  	s12 =	sadd.s32 s7, s4;
	s4 =	sadd.s32 $0x3600, s4;
	s13 =	ssub.s32 s8, s25  }
0xf: {  	s5 =	sadd.s32 s0, s6;
	s11 =	sadd.s32 s11, s31;
	s22 =	sshrl.u32 s26, $0x3  }
0x10: {  	s25 =	simm.s32 $0x3;
	s26 =	simm.s32 $0x4;
	s6 =	sadd.s32 $0x5000, s5  }
0x11: {  	s7 =	sadd.s32 $0xA000, s5;
	s8 =	sadd.s32 $0xF000, s5;
	s9 =	sadd.s32 $0x400, s12  }
0x12: {  	s10 =	sadd.s32 $0x14000, s5;
	s12 =	smax.u32 s13, $0x1;
	s13 =	simm.s32 $0x400  }
.LBB2_1:
0x13: {  	[tilespmem:s15], [sflag:$0x2] =	stream.strided.gather [hbm4b:s5+s13], $0x1400, s14, s13, $0x38;
	[tilespmem:$0x1F180] =	vst v63  }
0x14: {  	_ = 	snop  }
0x15: {  	[tilespmem:s16], [sflag:$0x3] =	stream.strided.gather [hbm4b:s6+s13], $0x1400, s14, s13, $0x38;
	[tilespmem:$0x1F180] =	vst v63  }
0x16: {  	_ = 	snop  }
0x17: {  	[tilespmem:s17], [sflag:$0x4] =	stream.strided.gather [hbm4b:s7+s13], $0x1400, s14, s13, $0x38;
	[tilespmem:$0x1F180] =	vst v63  }
0x18: {  	_ = 	snop  }
0x19: {  	[tilespmem:s18], [sflag:$0x5] =	stream.strided.gather [hbm4b:s8+s13], $0x1400, s14, s13, $0x38;
	[tilespmem:$0x1F180] =	vst v63  }
0x1a: {  	_ = 	snop  }
0x1b: {  	[tilespmem:s19], [sflag:$0x6] =	stream.linear.gather [hbm4b:s4+s3], $0x80, $0x38;
	[tilespmem:$0x1F180] =	vst v63  }
0x1c: {  	_ =	swait.ge [sflag:s20], $0x80  }
0x1d: {  	[sflag:s20] =	ssyncset.done $0x0  }
0x1e: {  	[sflag:s20] =	ssyncadd.s32 $0xFFFFFF80  }
0x1f: {  	[spmem:s22], [sflag:s21] =	dma.local [hbm:s9], $0x310  }
0x20: {  	_ =	swait.ge [sflag:s23], $0x310  }
0x21: {  	[sflag:s23] =	ssyncset.done $0x0  }
0x22: {  	[sflag:s23] =	ssyncadd.s32 $0xFFFFFCF0  }
0x23: {  	[bflag:$0x0] =	sbarrier.arrive $0xFFFF  }
0x24: {  	[tilespmem:s3], [sflag:$0x6] =	stream.linear.gather [spmem:s2], $0x18800, $0x38;
	[tilespmem:$0x1F180] =	vst v63  }
0x25: {  	_ =	swait.ge [sflag:s20], $0x18800  }
0x26: {  	[sflag:s20] =	ssyncset.done $0x0  }
0x27: {  	[sflag:s20] =	ssyncadd.s32 $0xFFFE7800  }
0x28: {  	v0 =	vld [tilespmem:$0x1F100];
	_ =	swait.ge [sflag:s24], $0x1400  }
0x29: {  	[sflag:s24] =	ssyncset.done $0x0  }
0x2a: {  	s0 =	simm.s32 $0x0;
	[sflag:s24] =	ssyncadd.s32 $0xFFFFEC00  }
0x2b: {  	v1 =	vld [tilespmem:s0+$0x1A0F0]  }
0x2c: {  	v2 =	vld [tilespmem:s0+$0x1A080]  }
0x2d: {  	v3 =	vld [tilespmem:s0+$0x1A090]  }
0x2e: {  	v4 =	vld [tilespmem:s0+$0x1A0A0]  }
0x2f: {  	v5 =	vld [tilespmem:s0+$0x1A0B0]  }
0x30: {  	v6 =	vld [tilespmem:s0+$0x1A0C0]  }
0x31: {  	v8 =	vld [tilespmem:s0+$0x1A0E0]  }
0x32: {  	v7 =	vld [tilespmem:s0+$0x1A0D0]  }
0x33: {  	v1 =	vld.idx.msk [tilespmem:v1+s3+$0x0], $0xffff  }
0x34: {  	v2 =	vld.idx.msk [tilespmem:v2+s3+$0x0], $0xffff  }
0x35: {  	v13 =	vld.idx.msk [tilespmem:v3+s3+$0x0], $0xffff  }
0x36: {  	v12 =	vld.idx.msk [tilespmem:v4+s3+$0x0], $0xffff  }
0x37: {  	v11 =	vld.idx.msk [tilespmem:v5+s3+$0x0], $0xffff  }
0x38: {  	v3 =	vimm.f32 $0.0e+00;
	v10 =	vld.idx.msk [tilespmem:v6+s3+$0x0], $0xffff;
	v5 =	vimm.f32 $0.0e+00  }
0x39: {  	v4 =	vimm.f32 $0.0e+00;
	v14 =	vld.idx.msk [tilespmem:v8+s3+$0x0], $0xffff;
	v8 =	vimm.f32 $0.0e+00;
	v6 =	vimm.f32 $0.0e+00  }
0x3a: {  	s31 =	simm.s32 $0x400;
	s0 =	simm.s32 $0x80;
	v9 =	vld.idx.msk [tilespmem:v7+s3+$0x0], $0xffff;
	v7 =	vimm.f32 $0.0e+00;
	v1 =	vadd.f32 v1, v3;
	v2 =	vadd.f32 v2, v3  }
.LBB2_2:
0x3b: {  	p0 =	sne.s32 s31, $0x4E00;
	v15 =	vld [tilespmem:s0+$0x1A0F0];
	v3 =	vadd.f32 v13, v3  }
0x3c: {  	v5 =	vadd.f32 v12, v5;
	v13 =	vld [tilespmem:s0+$0x1A080]  }
0x3d: {  	v4 =	vadd.f32 v11, v4;
	v12 =	vld [tilespmem:s0+$0x1A090]  }
0x3e: {  	v8 =	vadd.f32 v10, v8;
	v11 =	vld [tilespmem:s0+$0x1A0A0]  }
0x3f: {  	v6 =	vadd.f32 v9, v6;
	v10 =	vld [tilespmem:s0+$0x1A0B0]  }
0x40: {  	v7 =	vadd.f32 v14, v7;
	v9 =	vld [tilespmem:s0+$0x1A0C0]  }
0x41: {  	v14 =	vld [tilespmem:s0+$0x1A0D0]  }
0x42: {  	v16 =	vld [tilespmem:s0+$0x1A0E0]  }
0x43: {  	v15 =	vld.idx.msk [tilespmem:v15+s3+$0x0], $0xffff  }
0x44: {  	v17 =	vld.idx.msk [tilespmem:v13+s3+$0x0], $0xffff  }
0x45: {  	v13 =	vld.idx.msk [tilespmem:v12+s3+$0x0], $0xffff  }
.Ltmp0:
0x46: {  	v12 =	vld.idx.msk [tilespmem:v11+s3+$0x0], $0xffff;
	(pc) =	sbr.rel @p0 .LBB2_2-.Ltmp0, $4  }
0x47: {  	v11 =	vld.idx.msk [tilespmem:v10+s3+$0x0], $0xffff  }
0x48: {  	v10 =	vld.idx.msk [tilespmem:v9+s3+$0x0], $0xffff  }
0x49: {  	v1 =	vadd.f32 v15, v1;
	v9 =	vld.idx.msk [tilespmem:v14+s3+$0x0], $0xffff  }
0x4a: {  	s0 =	sshra.s32 s31, $0x2;
	s31 =	sadd.s32 $0x200, s31;
	v2 =	vadd.f32 v17, v2;
	v14 =	vld.idx.msk [tilespmem:v16+s3+$0x0], $0xffff  }
0x4b: {  	v15 =	vld [tilespmem:s0+$0x1A0F0]  }
0x4c: {  	v16 =	vld [tilespmem:s0+$0x1A080]  }
0x4d: {  	v17 =	vld [tilespmem:s0+$0x1A090]  }
0x4e: {  	v18 =	vld [tilespmem:s0+$0x1A0A0]  }
0x4f: {  	v19 =	vld [tilespmem:s0+$0x1A0B0]  }
0x50: {  	v20 =	vld [tilespmem:s0+$0x1A0C0]  }
0x51: {  	v21 =	vld [tilespmem:s0+$0x1A0D0]  }
0x52: {  	v22 =	vld [tilespmem:s0+$0x1A0E0]  }
0x53: {  	v15 =	vld.idx.msk [tilespmem:v15+s3+$0x0], $0xffff  }
0x54: {  	v16 =	vld.idx.msk [tilespmem:v16+s3+$0x0], $0xffff  }
0x55: {  	v17 =	vld.idx.msk [tilespmem:v17+s3+$0x0], $0xffff  }
0x56: {  	v18 =	vld.idx.msk [tilespmem:v18+s3+$0x0], $0xffff  }
0x57: {  	v19 =	vld.idx.msk [tilespmem:v19+s3+$0x0], $0xffff  }
0x58: {  	v20 =	vld.idx.msk [tilespmem:v20+s3+$0x0], $0xffff  }
0x59: {  	v21 =	vld.idx.msk [tilespmem:v21+s3+$0x0], $0xffff  }
0x5a: {  	v22 =	vld.idx.msk [tilespmem:v22+s3+$0x0], $0xffff;
	[tilespmem:s15], [sflag:$0x2] =	stream.strided.gather [hbm4b:s10+s13], $0x1400, s14, s13, $0x38  }
0x5b: {  	_ =	swait.ge [sflag:s25], $0x1400  }
0x5c: {  	[sflag:s25] =	ssyncset.done $0x0  }
0x5d: {  	s0 =	simm.s32 $0x0;
	[sflag:s25] =	ssyncadd.s32 $0xFFFFEC00  }
0x5e: {  	v23 =	vld [tilespmem:s0+$0x1B4F0]  }
0x5f: {  	v24 =	vld [tilespmem:s0+$0x1B480]  }
0x60: {  	v25 =	vld [tilespmem:s0+$0x1B490]  }
0x61: {  	v26 =	vld [tilespmem:s0+$0x1B4A0]  }
0x62: {  	v27 =	vld [tilespmem:s0+$0x1B4B0]  }
0x63: {  	v28 =	vld [tilespmem:s0+$0x1B4C0]  }
0x64: {  	v29 =	vld [tilespmem:s0+$0x1B4D0]  }
0x65: {  	v30 =	vld [tilespmem:s0+$0x1B4E0]  }
0x66: {  	v3 =	vadd.f32 v13, v3;
	v5 =	vadd.f32 v12, v5;
	v23 =	vld.idx.msk [tilespmem:v23+s3+$0x0], $0xffff  }
0x67: {  	v4 =	vadd.f32 v11, v4;
	v8 =	vadd.f32 v10, v8;
	v24 =	vld.idx.msk [tilespmem:v24+s3+$0x0], $0xffff  }
0x68: {  	v6 =	vadd.f32 v9, v6;
	v7 =	vadd.f32 v14, v7;
	v9 =	vld.idx.msk [tilespmem:v25+s3+$0x0], $0xffff  }
0x69: {  	v14 =	vadd.f32 v15, v1;
	v15 =	vadd.f32 v16, v2;
	v10 =	vld.idx.msk [tilespmem:v26+s3+$0x0], $0xffff  }
0x6a: {  	v1 =	vadd.f32 v17, v3;
	v2 =	vadd.f32 v18, v5;
	v11 =	vld.idx.msk [tilespmem:v27+s3+$0x0], $0xffff  }
0x6b: {  	v3 =	vadd.f32 v19, v4;
	v4 =	vadd.f32 v20, v8;
	v12 =	vld.idx.msk [tilespmem:v28+s3+$0x0], $0xffff  }
0x6c: {  	v5 =	vadd.f32 v21, v6;
	v6 =	vadd.f32 v22, v7;
	v13 =	vld.idx.msk [tilespmem:v29+s3+$0x0], $0xffff  }
0x6d: {  	s31 =	simm.s32 $0x400;
	s0 =	simm.s32 $0x80;
	v7 =	vadd.f32 v23, v14;
	v8 =	vadd.f32 v24, v15;
	v14 =	vld.idx.msk [tilespmem:v30+s3+$0x0], $0xffff  }
.LBB2_4:
0x6e: {  	p0 =	sne.s32 s31, $0x4E00;
	v15 =	vld [tilespmem:s0+$0x1B4F0];
	v1 =	vadd.f32 v9, v1  }
0x6f: {  	v2 =	vadd.f32 v10, v2;
	v9 =	vld [tilespmem:s0+$0x1B480]  }
0x70: {  	v3 =	vadd.f32 v11, v3;
	v10 =	vld [tilespmem:s0+$0x1B490]  }
0x71: {  	v4 =	vadd.f32 v12, v4;
	v11 =	vld [tilespmem:s0+$0x1B4A0]  }
0x72: {  	v5 =	vadd.f32 v13, v5;
	v12 =	vld [tilespmem:s0+$0x1B4B0]  }
0x73: {  	v6 =	vadd.f32 v14, v6;
	v13 =	vld [tilespmem:s0+$0x1B4C0]  }
0x74: {  	v14 =	vld [tilespmem:s0+$0x1B4D0]  }
0x75: {  	v16 =	vld [tilespmem:s0+$0x1B4E0]  }
0x76: {  	v15 =	vld.idx.msk [tilespmem:v15+s3+$0x0], $0xffff  }
0x77: {  	v17 =	vld.idx.msk [tilespmem:v9+s3+$0x0], $0xffff  }
0x78: {  	v9 =	vld.idx.msk [tilespmem:v10+s3+$0x0], $0xffff  }
.Ltmp1:
0x79: {  	v10 =	vld.idx.msk [tilespmem:v11+s3+$0x0], $0xffff;
	(pc) =	sbr.rel @p0 .LBB2_4-.Ltmp1, $4  }
0x7a: {  	v11 =	vld.idx.msk [tilespmem:v12+s3+$0x0], $0xffff  }
0x7b: {  	v12 =	vld.idx.msk [tilespmem:v13+s3+$0x0], $0xffff  }
0x7c: {  	v7 =	vadd.f32 v15, v7;
	v13 =	vld.idx.msk [tilespmem:v14+s3+$0x0], $0xffff  }
0x7d: {  	s0 =	sshra.s32 s31, $0x2;
	s31 =	sadd.s32 $0x200, s31;
	v8 =	vadd.f32 v17, v8;
	v14 =	vld.idx.msk [tilespmem:v16+s3+$0x0], $0xffff  }
0x7e: {  	v15 =	vld [tilespmem:s0+$0x1B4F0]  }
0x7f: {  	v16 =	vld [tilespmem:s0+$0x1B480]  }
0x80: {  	v17 =	vld [tilespmem:s0+$0x1B490]  }
0x81: {  	v18 =	vld [tilespmem:s0+$0x1B4A0]  }
0x82: {  	v19 =	vld [tilespmem:s0+$0x1B4B0]  }
0x83: {  	v20 =	vld [tilespmem:s0+$0x1B4C0]  }
0x84: {  	v21 =	vld [tilespmem:s0+$0x1B4D0]  }
0x85: {  	v22 =	vld [tilespmem:s0+$0x1B4E0]  }
0x86: {  	v15 =	vld.idx.msk [tilespmem:v15+s3+$0x0], $0xffff  }
0x87: {  	v16 =	vld.idx.msk [tilespmem:v16+s3+$0x0], $0xffff  }
0x88: {  	v17 =	vld.idx.msk [tilespmem:v17+s3+$0x0], $0xffff  }
0x89: {  	v18 =	vld.idx.msk [tilespmem:v18+s3+$0x0], $0xffff  }
0x8a: {  	v19 =	vld.idx.msk [tilespmem:v19+s3+$0x0], $0xffff  }
0x8b: {  	v20 =	vld.idx.msk [tilespmem:v20+s3+$0x0], $0xffff  }
0x8c: {  	v21 =	vld.idx.msk [tilespmem:v21+s3+$0x0], $0xffff  }
0x8d: {  	v22 =	vld.idx.msk [tilespmem:v22+s3+$0x0], $0xffff;
	_ =	swait.ge [sflag:s26], $0x1400  }
0x8e: {  	[sflag:s26] =	ssyncset.done $0x0  }
0x8f: {  	s0 =	simm.s32 $0x0;
	[sflag:s26] =	ssyncadd.s32 $0xFFFFEC00  }
0x90: {  	v23 =	vld [tilespmem:s0+$0x1C8F0]  }
0x91: {  	v24 =	vld [tilespmem:s0+$0x1C880]  }
0x92: {  	v25 =	vld [tilespmem:s0+$0x1C890]  }
0x93: {  	v26 =	vld [tilespmem:s0+$0x1C8A0]  }
0x94: {  	v27 =	vld [tilespmem:s0+$0x1C8B0]  }
0x95: {  	v28 =	vld [tilespmem:s0+$0x1C8C0]  }
0x96: {  	v29 =	vld [tilespmem:s0+$0x1C8D0]  }
0x97: {  	v30 =	vld [tilespmem:s0+$0x1C8E0]  }
0x98: {  	v1 =	vadd.f32 v9, v1;
	v2 =	vadd.f32 v10, v2;
	v23 =	vld.idx.msk [tilespmem:v23+s3+$0x0], $0xffff  }
0x99: {  	v3 =	vadd.f32 v11, v3;
	v4 =	vadd.f32 v12, v4;
	v24 =	vld.idx.msk [tilespmem:v24+s3+$0x0], $0xffff  }
0x9a: {  	v5 =	vadd.f32 v13, v5;
	v6 =	vadd.f32 v14, v6;
	v9 =	vld.idx.msk [tilespmem:v25+s3+$0x0], $0xffff  }
0x9b: {  	v7 =	vadd.f32 v15, v7;
	v8 =	vadd.f32 v16, v8;
	v10 =	vld.idx.msk [tilespmem:v26+s3+$0x0], $0xffff  }
0x9c: {  	v1 =	vadd.f32 v17, v1;
	v2 =	vadd.f32 v18, v2;
	v11 =	vld.idx.msk [tilespmem:v27+s3+$0x0], $0xffff  }
0x9d: {  	v3 =	vadd.f32 v19, v3;
	v4 =	vadd.f32 v20, v4;
	v12 =	vld.idx.msk [tilespmem:v28+s3+$0x0], $0xffff  }
0x9e: {  	v5 =	vadd.f32 v21, v5;
	v6 =	vadd.f32 v22, v6;
	v13 =	vld.idx.msk [tilespmem:v29+s3+$0x0], $0xffff  }
0x9f: {  	s31 =	simm.s32 $0x400;
	s0 =	simm.s32 $0x80;
	v14 =	vld.idx.msk [tilespmem:v30+s3+$0x0], $0xffff;
	v7 =	vadd.f32 v23, v7;
	v8 =	vadd.f32 v24, v8  }
.LBB2_6:
0xa0: {  	p0 =	sne.s32 s31, $0x4E00;
	v15 =	vld [tilespmem:s0+$0x1C8F0];
	v1 =	vadd.f32 v9, v1  }
0xa1: {  	v2 =	vadd.f32 v10, v2;
	v9 =	vld [tilespmem:s0+$0x1C880]  }
0xa2: {  	v3 =	vadd.f32 v11, v3;
	v10 =	vld [tilespmem:s0+$0x1C890]  }
0xa3: {  	v4 =	vadd.f32 v12, v4;
	v11 =	vld [tilespmem:s0+$0x1C8A0]  }
0xa4: {  	v5 =	vadd.f32 v13, v5;
	v12 =	vld [tilespmem:s0+$0x1C8B0]  }
0xa5: {  	v6 =	vadd.f32 v14, v6;
	v13 =	vld [tilespmem:s0+$0x1C8C0]  }
0xa6: {  	v14 =	vld [tilespmem:s0+$0x1C8D0]  }
0xa7: {  	v16 =	vld [tilespmem:s0+$0x1C8E0]  }
0xa8: {  	v15 =	vld.idx.msk [tilespmem:v15+s3+$0x0], $0xffff  }
0xa9: {  	v17 =	vld.idx.msk [tilespmem:v9+s3+$0x0], $0xffff  }
0xaa: {  	v9 =	vld.idx.msk [tilespmem:v10+s3+$0x0], $0xffff  }
.Ltmp2:
0xab: {  	v10 =	vld.idx.msk [tilespmem:v11+s3+$0x0], $0xffff;
	(pc) =	sbr.rel @p0 .LBB2_6-.Ltmp2, $4  }
0xac: {  	v11 =	vld.idx.msk [tilespmem:v12+s3+$0x0], $0xffff  }
0xad: {  	v12 =	vld.idx.msk [tilespmem:v13+s3+$0x0], $0xffff  }
0xae: {  	v7 =	vadd.f32 v15, v7;
	v13 =	vld.idx.msk [tilespmem:v14+s3+$0x0], $0xffff  }
0xaf: {  	s0 =	sshra.s32 s31, $0x2;
	s31 =	sadd.s32 $0x200, s31;
	v8 =	vadd.f32 v17, v8;
	v14 =	vld.idx.msk [tilespmem:v16+s3+$0x0], $0xffff  }
0xb0: {  	v15 =	vld [tilespmem:s0+$0x1C8F0]  }
0xb1: {  	v16 =	vld [tilespmem:s0+$0x1C880]  }
0xb2: {  	v17 =	vld [tilespmem:s0+$0x1C890]  }
0xb3: {  	v18 =	vld [tilespmem:s0+$0x1C8A0]  }
0xb4: {  	v19 =	vld [tilespmem:s0+$0x1C8B0]  }
0xb5: {  	v20 =	vld [tilespmem:s0+$0x1C8C0]  }
0xb6: {  	v21 =	vld [tilespmem:s0+$0x1C8D0]  }
0xb7: {  	v22 =	vld [tilespmem:s0+$0x1C8E0]  }
0xb8: {  	v15 =	vld.idx.msk [tilespmem:v15+s3+$0x0], $0xffff  }
0xb9: {  	v16 =	vld.idx.msk [tilespmem:v16+s3+$0x0], $0xffff  }
0xba: {  	v17 =	vld.idx.msk [tilespmem:v17+s3+$0x0], $0xffff  }
0xbb: {  	v18 =	vld.idx.msk [tilespmem:v18+s3+$0x0], $0xffff  }
0xbc: {  	v19 =	vld.idx.msk [tilespmem:v19+s3+$0x0], $0xffff  }
0xbd: {  	v20 =	vld.idx.msk [tilespmem:v20+s3+$0x0], $0xffff  }
0xbe: {  	v21 =	vld.idx.msk [tilespmem:v21+s3+$0x0], $0xffff  }
0xbf: {  	v22 =	vld.idx.msk [tilespmem:v22+s3+$0x0], $0xffff;
	_ =	swait.ge [sflag:s28], $0x1400  }
0xc0: {  	[sflag:s28] =	ssyncset.done $0x0  }
0xc1: {  	s0 =	simm.s32 $0x0;
	[sflag:s28] =	ssyncadd.s32 $0xFFFFEC00  }
0xc2: {  	v23 =	vld [tilespmem:s0+$0x1DCF0]  }
0xc3: {  	v24 =	vld [tilespmem:s0+$0x1DC80]  }
0xc4: {  	v25 =	vld [tilespmem:s0+$0x1DC90]  }
0xc5: {  	v26 =	vld [tilespmem:s0+$0x1DCA0]  }
0xc6: {  	v27 =	vld [tilespmem:s0+$0x1DCB0]  }
0xc7: {  	v28 =	vld [tilespmem:s0+$0x1DCC0]  }
0xc8: {  	v29 =	vld [tilespmem:s0+$0x1DCD0]  }
0xc9: {  	v30 =	vld [tilespmem:s0+$0x1DCE0]  }
0xca: {  	v1 =	vadd.f32 v9, v1;
	v2 =	vadd.f32 v10, v2;
	v23 =	vld.idx.msk [tilespmem:v23+s3+$0x0], $0xffff  }
0xcb: {  	v3 =	vadd.f32 v11, v3;
	v4 =	vadd.f32 v12, v4;
	v24 =	vld.idx.msk [tilespmem:v24+s3+$0x0], $0xffff  }
0xcc: {  	v5 =	vadd.f32 v13, v5;
	v6 =	vadd.f32 v14, v6;
	v9 =	vld.idx.msk [tilespmem:v25+s3+$0x0], $0xffff  }
0xcd: {  	v7 =	vadd.f32 v15, v7;
	v8 =	vadd.f32 v16, v8;
	v10 =	vld.idx.msk [tilespmem:v26+s3+$0x0], $0xffff  }
0xce: {  	v1 =	vadd.f32 v17, v1;
	v2 =	vadd.f32 v18, v2;
	v11 =	vld.idx.msk [tilespmem:v27+s3+$0x0], $0xffff  }
0xcf: {  	v3 =	vadd.f32 v19, v3;
	v4 =	vadd.f32 v20, v4;
	v12 =	vld.idx.msk [tilespmem:v28+s3+$0x0], $0xffff  }
0xd0: {  	v5 =	vadd.f32 v21, v5;
	v6 =	vadd.f32 v22, v6;
	v13 =	vld.idx.msk [tilespmem:v29+s3+$0x0], $0xffff  }
0xd1: {  	s31 =	simm.s32 $0x400;
	s0 =	simm.s32 $0x80;
	v14 =	vld.idx.msk [tilespmem:v30+s3+$0x0], $0xffff;
	v7 =	vadd.f32 v23, v7;
	v8 =	vadd.f32 v24, v8  }
.LBB2_8:
0xd2: {  	p0 =	sne.s32 s31, $0x4E00;
	v15 =	vld [tilespmem:s0+$0x1DCF0];
	v1 =	vadd.f32 v9, v1  }
0xd3: {  	v2 =	vadd.f32 v10, v2;
	v9 =	vld [tilespmem:s0+$0x1DC80]  }
0xd4: {  	v3 =	vadd.f32 v11, v3;
	v10 =	vld [tilespmem:s0+$0x1DC90]  }
0xd5: {  	v4 =	vadd.f32 v12, v4;
	v11 =	vld [tilespmem:s0+$0x1DCA0]  }
0xd6: {  	v5 =	vadd.f32 v13, v5;
	v12 =	vld [tilespmem:s0+$0x1DCB0]  }
0xd7: {  	v6 =	vadd.f32 v14, v6;
	v13 =	vld [tilespmem:s0+$0x1DCC0]  }
0xd8: {  	v14 =	vld [tilespmem:s0+$0x1DCD0]  }
0xd9: {  	v16 =	vld [tilespmem:s0+$0x1DCE0]  }
0xda: {  	v15 =	vld.idx.msk [tilespmem:v15+s3+$0x0], $0xffff  }
0xdb: {  	v17 =	vld.idx.msk [tilespmem:v9+s3+$0x0], $0xffff  }
0xdc: {  	v9 =	vld.idx.msk [tilespmem:v10+s3+$0x0], $0xffff  }
.Ltmp3:
0xdd: {  	v10 =	vld.idx.msk [tilespmem:v11+s3+$0x0], $0xffff;
	(pc) =	sbr.rel @p0 .LBB2_8-.Ltmp3, $4  }
0xde: {  	v11 =	vld.idx.msk [tilespmem:v12+s3+$0x0], $0xffff  }
0xdf: {  	v12 =	vld.idx.msk [tilespmem:v13+s3+$0x0], $0xffff  }
0xe0: {  	v7 =	vadd.f32 v15, v7;
	v13 =	vld.idx.msk [tilespmem:v14+s3+$0x0], $0xffff  }
0xe1: {  	s0 =	sshra.s32 s31, $0x2;
	s31 =	sadd.s32 $0x200, s31;
	v8 =	vadd.f32 v17, v8;
	v14 =	vld.idx.msk [tilespmem:v16+s3+$0x0], $0xffff  }
0xe2: {  	v15 =	vld [tilespmem:s0+$0x1DCF0]  }
0xe3: {  	v16 =	vld [tilespmem:s0+$0x1DC80]  }
0xe4: {  	v17 =	vld [tilespmem:s0+$0x1DC90]  }
0xe5: {  	v18 =	vld [tilespmem:s0+$0x1DCA0]  }
0xe6: {  	v19 =	vld [tilespmem:s0+$0x1DCB0]  }
0xe7: {  	v20 =	vld [tilespmem:s0+$0x1DCC0]  }
0xe8: {  	v21 =	vld [tilespmem:s0+$0x1DCD0]  }
0xe9: {  	v22 =	vld [tilespmem:s0+$0x1DCE0]  }
0xea: {  	v15 =	vld.idx.msk [tilespmem:v15+s3+$0x0], $0xffff  }
0xeb: {  	v16 =	vld.idx.msk [tilespmem:v16+s3+$0x0], $0xffff  }
0xec: {  	v17 =	vld.idx.msk [tilespmem:v17+s3+$0x0], $0xffff  }
0xed: {  	v18 =	vld.idx.msk [tilespmem:v18+s3+$0x0], $0xffff  }
0xee: {  	v19 =	vld.idx.msk [tilespmem:v19+s3+$0x0], $0xffff  }
0xef: {  	v20 =	vld.idx.msk [tilespmem:v20+s3+$0x0], $0xffff  }
0xf0: {  	v21 =	vld.idx.msk [tilespmem:v21+s3+$0x0], $0xffff  }
0xf1: {  	v22 =	vld.idx.msk [tilespmem:v22+s3+$0x0], $0xffff;
	_ =	swait.ge [sflag:s24], $0x1400  }
0xf2: {  	[sflag:s24] =	ssyncset.done $0x0  }
0xf3: {  	s0 =	simm.s32 $0x0;
	[sflag:s24] =	ssyncadd.s32 $0xFFFFEC00  }
0xf4: {  	v23 =	vld [tilespmem:s0+$0x1A0F0]  }
0xf5: {  	v24 =	vld [tilespmem:s0+$0x1A080]  }
0xf6: {  	v25 =	vld [tilespmem:s0+$0x1A090]  }
0xf7: {  	v26 =	vld [tilespmem:s0+$0x1A0A0]  }
0xf8: {  	v27 =	vld [tilespmem:s0+$0x1A0B0]  }
0xf9: {  	v28 =	vld [tilespmem:s0+$0x1A0C0]  }
0xfa: {  	v29 =	vld [tilespmem:s0+$0x1A0D0]  }
0xfb: {  	v30 =	vld [tilespmem:s0+$0x1A0E0]  }
0xfc: {  	v1 =	vadd.f32 v9, v1;
	v2 =	vadd.f32 v10, v2;
	v23 =	vld.idx.msk [tilespmem:v23+s3+$0x0], $0xffff  }
0xfd: {  	v31 =	vadd.f32 v11, v3;
	v12 =	vadd.f32 v12, v4;
	v24 =	vld.idx.msk [tilespmem:v24+s3+$0x0], $0xffff  }
0xfe: {  	v13 =	vadd.f32 v13, v5;
	v14 =	vadd.f32 v14, v6;
	v9 =	vld.idx.msk [tilespmem:v25+s3+$0x0], $0xffff  }
0xff: {  	v15 =	vadd.f32 v15, v7;
	v8 =	vadd.f32 v16, v8;
	v10 =	vld.idx.msk [tilespmem:v26+s3+$0x0], $0xffff  }
0x100: {  	v3 =	vadd.f32 v17, v1;
	v4 =	vadd.f32 v18, v2;
	v11 =	vld.idx.msk [tilespmem:v27+s3+$0x0], $0xffff  }
0x101: {  	v5 =	vadd.f32 v19, v31;
	v6 =	vadd.f32 v20, v12;
	v12 =	vld.idx.msk [tilespmem:v28+s3+$0x0], $0xffff  }
0x102: {  	v7 =	vadd.f32 v21, v13;
	v2 =	vadd.f32 v22, v14;
	v13 =	vld.idx.msk [tilespmem:v29+s3+$0x0], $0xffff  }
0x103: {  	s31 =	simm.s32 $0x400;
	s0 =	simm.s32 $0x80;
	v14 =	vld.idx.msk [tilespmem:v30+s3+$0x0], $0xffff;
	v1 =	vadd.f32 v23, v15;
	v8 =	vadd.f32 v24, v8  }
.LBB2_10:
0x104: {  	p0 =	sne.s32 s31, $0x4E00;
	v15 =	vld [tilespmem:s0+$0x1A0F0];
	v3 =	vadd.f32 v9, v3  }
0x105: {  	v4 =	vadd.f32 v10, v4;
	v9 =	vld [tilespmem:s0+$0x1A080]  }
0x106: {  	v5 =	vadd.f32 v11, v5;
	v10 =	vld [tilespmem:s0+$0x1A090]  }
0x107: {  	v6 =	vadd.f32 v12, v6;
	v11 =	vld [tilespmem:s0+$0x1A0A0]  }
0x108: {  	v7 =	vadd.f32 v13, v7;
	v12 =	vld [tilespmem:s0+$0x1A0B0]  }
0x109: {  	v2 =	vadd.f32 v14, v2;
	v13 =	vld [tilespmem:s0+$0x1A0C0]  }
0x10a: {  	v14 =	vld [tilespmem:s0+$0x1A0D0]  }
0x10b: {  	v16 =	vld [tilespmem:s0+$0x1A0E0]  }
0x10c: {  	v15 =	vld.idx.msk [tilespmem:v15+s3+$0x0], $0xffff  }
0x10d: {  	v17 =	vld.idx.msk [tilespmem:v9+s3+$0x0], $0xffff  }
0x10e: {  	v9 =	vld.idx.msk [tilespmem:v10+s3+$0x0], $0xffff  }
.Ltmp4:
0x10f: {  	v10 =	vld.idx.msk [tilespmem:v11+s3+$0x0], $0xffff;
	(pc) =	sbr.rel @p0 .LBB2_10-.Ltmp4, $4  }
0x110: {  	v11 =	vld.idx.msk [tilespmem:v12+s3+$0x0], $0xffff  }
0x111: {  	v12 =	vld.idx.msk [tilespmem:v13+s3+$0x0], $0xffff  }
0x112: {  	v1 =	vadd.f32 v15, v1;
	v13 =	vld.idx.msk [tilespmem:v14+s3+$0x0], $0xffff  }
0x113: {  	s0 =	sshra.s32 s31, $0x2;
	s31 =	sadd.s32 $0x200, s31;
	v8 =	vadd.f32 v17, v8;
	v14 =	vld.idx.msk [tilespmem:v16+s3+$0x0], $0xffff  }
0x114: {  	v15 =	vld [tilespmem:s0+$0x1A080]  }
0x115: {  	v16 =	vld [tilespmem:s0+$0x1A090]  }
0x116: {  	v17 =	vld [tilespmem:s0+$0x1A0A0]  }
0x117: {  	v18 =	vld [tilespmem:s0+$0x1A0B0]  }
0x118: {  	v19 =	vld [tilespmem:s0+$0x1A0C0]  }
0x119: {  	v20 =	vld [tilespmem:s0+$0x1A0D0]  }
0x11a: {  	v21 =	vld [tilespmem:s0+$0x1A0E0]  }
0x11b: {  	v22 =	vld [tilespmem:s0+$0x1A0F0]  }
0x11c: {  	v15 =	vld.idx.msk [tilespmem:v15+s3+$0x0], $0xffff  }
0x11d: {  	v16 =	vld.idx.msk [tilespmem:v16+s3+$0x0], $0xffff  }
0x11e: {  	v17 =	vld.idx.msk [tilespmem:v17+s3+$0x0], $0xffff  }
0x11f: {  	v3 =	vadd.f32 v9, v3;
	v4 =	vadd.f32 v10, v4;
	v55 =	vld.idx.msk [tilespmem:v18+s3+$0x0], $0xffff  }
0x120: {  	v5 =	vadd.f32 v11, v5;
	v6 =	vadd.f32 v12, v6;
	v56 =	vld.idx.msk [tilespmem:v19+s3+$0x0], $0xffff  }
0x121: {  	v7 =	vadd.f32 v13, v7;
	v57 =	vld.idx.msk [tilespmem:v20+s3+$0x0], $0xffff;
	v8 =	vadd.f32 v15, v8  }
0x122: {  	v2 =	vadd.f32 v14, v2;
	v58 =	vld.idx.msk [tilespmem:v21+s3+$0x0], $0xffff;
	v3 =	vadd.f32 v16, v3  }
0x123: {  	v59 =	vld.idx.msk [tilespmem:v22+s3+$0x0], $0xffff;
	v4 =	vadd.f32 v17, v4;
	v8 =	vadd.f32 v8, v0  }
0x124: {  	v5 =	vadd.f32 v55, v5;
	v3 =	vadd.f32 v3, v0  }
0x125: {  	v6 =	vadd.f32 v56, v6;
	v4 =	vadd.f32 v4, v0;
	[tilespmem:$0x1F080] =	vst v8  }
0x126: {  	v7 =	vadd.f32 v57, v7;
	v60 =	vadd.f32 v5, v0;
	[tilespmem:$0x1F090] =	vst v3  }
0x127: {  	v2 =	vadd.f32 v58, v2;
	v61 =	vadd.f32 v6, v0;
	[tilespmem:$0x1F0A0] =	vst v4  }
0x128: {  	v1 =	vadd.f32 v59, v1;
	v62 =	vadd.f32 v7, v0;
	[tilespmem:$0x1F0B0] =	vst v60  }
0x129: {  	v2 =	vadd.f32 v2, v0;
	[tilespmem:$0x1F0C0] =	vst v61  }
0x12a: {  	s30 =	sadd.s32 $0x1, s30;
	v63 =	vadd.f32 v1, v0;
	[tilespmem:$0x1F0D0] =	vst v62  }
0x12b: {  	p0 =	sne.s32 s30, s12;
	[tilespmem:$0x1F0E0] =	vst v2  }
.Ltmp5:
0x12c: {  	[tilespmem:$0x1F0F0] =	vst v63;
	(pc) =	sbr.rel @p0 .LBB2_1-.Ltmp5, $4  }
0x12d: {  	[hbm4b:s11+s3] =	stream.linear.scatter [tilespmem:s29], [sflag:$0x6], $0x80, $0x38;
	[tilespmem:$0x1F180] =	vst v63  }
0x12e: {  	_ =	swait.ge [sflag:s20], $0x80  }
0x12f: {  	[sflag:s20] =	ssyncset.done $0x0  }
0x130: {  	[sflag:s20] =	ssyncadd.s32 $0xFFFFFF80  }
0x131: {  	_ =	sfence.sel $0x180000  }
0x132: {  	[bflag:$0x0] =	sbarrier.arrive $0xFFFF  }
0x133: {  	_ =	strace $0x90000047  }
0x134: {  	[bflag:$0x2] =	sbarrier.arrive $0xFFFF  }
0x135: {  	p0 =	sne.s32 s1, $0x0;
	s0 =	rddreg [dreg:$0x4]  }
0x136: {  	s0 =	sadd.s32 @!p0 $0x100000, s0  }
0x137: {  	[sflag:s0] =	ssyncadd.tile.s32 @!p0 $0x1;
	_ =	shalt  }
.Lfunc_end2:
_tile_overlayer_lowered:
.L_overlay_start_2:
0x138: {  	(tag) =	ssettag $0x2  }
0x139: {  	s0 =	rddreg [dreg:$0x0];
	s2 =	stileid.u32  }
0x13a: {  	s1 =	rddreg [dreg:$0x1];
	p0 =	sne.s32 s2, $0x0  }
0x13b: {  	s3 =	rddreg [dreg:$0x2];
	[bflag:$0x3] =	sbarrier.arrive $0xFFFF;
	s2 =	simm.s32 @!p0 $0x1C06  }
0x13c: {  	[timem:s3], [sflag:s2] =	dma.local @!p0 [hbm:s0], s1  }
0x13d: {  	s0 =	simm.s32 @!p0 $0x6  }
0x13e: {  	_ =	swait.ge @!p0 [sflag:s0], s1  }
0x13f: {  	s1 =	ssub.s32 @!p0 $0x0, s1;
	[sflag:s0] =	ssyncset.done @!p0 $0x0  }
0x140: {  	[sflag:s0] =	ssyncadd.s32 @!p0 s1  }
0x141: {  	[bflag:$0x3] =	sbarrier.arrive $0xFFFF  }
0x142: {  	_ =	shalt  }

</sc_bundles>
